<compile_context>
chip_gen: v7x
topology: tpu7x:2x2x1
jax: 0.10.2.dev20260603
libtpu: 0.0.44.dev20260713+nightly
codegen_flags: <defaults>
</compile_context>

<pallas_src>
import jax
import jax.numpy as jnp
from jax import lax
from jax.experimental import pallas as pl
from jax.experimental.pallas import tpu as pltpu
from jax.experimental.pallas import tpu_sc as plsc

N_NODES = 10000
N_PAD = 10240
N_EDGES = 320000
D_FEAT = 128
D_EDGE = 16
D_OUT = 64

NC = 2
NS = 16
EC = N_EDGES // (NC * NS)
SUB = 80
DSUB = 80


_DEG_BLK = EC // DSUB


def _deg_body(dst_hbm, ones_hbm, zeros_hbm, deg_out, deg_sp, dst_v, ones_v, sem):
    c = lax.axis_index("c")
    s = lax.axis_index("s")
    nrow = N_PAD // NS
    pltpu.sync_copy(zeros_hbm, deg_sp.at[pl.ds(s * nrow, nrow)])
    pltpu.sync_copy(ones_hbm, ones_v)
    pltpu.sync_copy(dst_hbm.at[c * NS + s], dst_v)
    plsc.subcore_barrier()

    def fire(j, _):
        pltpu.async_copy(ones_v, deg_sp.at[dst_v.at[j]], sem, add=True)
        return 0

    def drain(j, _):
        pltpu.make_async_copy(ones_v, deg_sp.at[dst_v.at[0]], sem).wait()
        return 0

    lax.fori_loop(0, _DEG_BLK, fire, 0)
    lax.fori_loop(0, _DEG_BLK, drain, 0)
    plsc.subcore_barrier()
    pltpu.sync_copy(deg_sp.at[pl.ds(s * nrow, nrow)],
                    deg_out.at[c, pl.ds(s * nrow, nrow)])



B_E = 80
_NB = EC // B_E
_NSUB = B_E // SUB


def _agg_body(sd_hbm, yd_hbm, z_hbm, zeros_hbm, acc_out,
              acc_sp, sd_a, yd_a, z_a, sd_b, yd_b, z_b,
              gs_a, zs_a, ss_a, gs_b, zs_b, ss_b):
    c = lax.axis_index("c")
    s = lax.axis_index("s")
    nrow = N_PAD // NS
    pltpu.sync_copy(zeros_hbm, acc_sp.at[pl.ds(s * nrow, nrow)])
    plsc.subcore_barrier()
    w = c * NS + s

    def start(i, sd_v, yd_v, z_v, gsem, zsem):
        pltpu.sync_copy(sd_hbm.at[w, i], sd_v)
        pltpu.async_copy(yd_hbm.at[sd_v.at[0]], yd_v, gsem)
        pltpu.async_copy(z_hbm.at[pl.ds((w * _NB + i) * B_E, B_E)], z_v, zsem)

    def finish(sd_v, yd_v, z_v, gsem, zsem, ssem):
        pltpu.make_async_copy(yd_hbm.at[sd_v.at[0]], yd_v, gsem).wait()
        pltpu.make_async_copy(z_hbm.at[pl.ds(0, B_E)], z_v, zsem).wait()

        def group(r, _):
            db = yd_v[r, pl.ds(D_OUT, 16)]
            for seg in range(D_OUT // 16):
                yv = yd_v[r, pl.ds(seg * 16, 16)]
                zv = z_v[r, pl.ds(seg * 16, 16)]
                yd_v[r, pl.ds(seg * 16, 16)] = yv + db * zv
            return 0

        lax.fori_loop(0, B_E, group, 0)
        pltpu.async_copy(yd_v, acc_sp.at[sd_v.at[1]], ssem, add=True)

    def drain(sd_v, yd_v, ssem):
        pltpu.make_async_copy(yd_v, acc_sp.at[sd_v.at[1]], ssem).wait()

    A = (sd_a, yd_a, z_a, gs_a, zs_a)
    B = (sd_b, yd_b, z_b, gs_b, zs_b)
    start(0, *A)
    start(1, *B)

    def pair(k, _):
        finish(*A, ss_a)
        @pl.when(2 * k + 2 < _NB)
        def _():
            drain(sd_a, yd_a, ss_a)
            start(2 * k + 2, *A)
        finish(*B, ss_b)
        @pl.when(2 * k + 3 < _NB)
        def _():
            drain(sd_b, yd_b, ss_b)
            start(2 * k + 3, *B)
        return 0

    lax.fori_loop(0, (_NB - 1) // 2, pair, 0)
    finish(*A, ss_a)
    drain(sd_a, yd_a, ss_a)
    drain(sd_b, yd_b, ss_b)
    plsc.subcore_barrier()
    pltpu.sync_copy(acc_sp.at[pl.ds(s * nrow, nrow)],
                    acc_out.at[c, pl.ds(s * nrow, nrow), :])




def _prep_body(deg0_ref, deg1_ref, x_ref, wx_ref, yd_ref):
    deg = deg0_ref[...] + deg1_ref[...] + 1.0
    dinv = deg ** -0.5
    y = jnp.dot(x_ref[...], wx_ref[...], preferred_element_type=jnp.float32)
    yd_ref[...] = jnp.concatenate(
        [dinv * y, jnp.broadcast_to(dinv, (dinv.shape[0], D_OUT))], axis=1)


def _edge_mm_body(ea_ref, we_ref, z_ref):
    z_ref[...] = jnp.dot(ea_ref[...], we_ref[...],
                         preferred_element_type=jnp.float32)


def _final_body(acc0_ref, acc1_ref, yd_ref, deg0_ref, deg1_ref,
                b_ref, out_ref):
    dinv = yd_ref[:, D_OUT:D_OUT + 1]
    ys = yd_ref[:, :D_OUT]
    acc = acc0_ref[:, :D_OUT] + acc1_ref[:, :D_OUT]
    deg = deg0_ref[...] + deg1_ref[...] + 1.0
    out_ref[...] = dinv * (acc + ys) + deg * b_ref[...]




@jax.jit
def kernel(x, edge_index, edge_attr, W, b):
    f32 = jnp.float32
    ei32 = edge_index.astype(jnp.int32)
    src4d = ei32[0].reshape(NC * NS, _NB, 1, SUB)
    dst4d = ei32[1].reshape(NC * NS, _NB, 1, SUB)
    sd4d = jnp.concatenate([src4d, dst4d], axis=2)
    dst3d = ei32[1].reshape(NC * NS, _DEG_BLK, DSUB)
    wx = W[:D_FEAT]
    we = W[D_FEAT:]
    ones_sub = jnp.ones((DSUB,), f32)
    zeros_row = jnp.zeros((N_PAD // NS,), f32)
    zeros_acc = jnp.zeros((N_PAD // NS, 2 * D_OUT), f32)
    x_pad = jnp.pad(x, ((0, N_PAD - N_NODES), (0, 0)))

    mesh = plsc.VectorSubcoreMesh(core_axis_name="c", subcore_axis_name="s",
                                  num_cores=NC, num_subcores=NS)

    deg_fn = pl.kernel(
        _deg_body,
        out_type=jax.ShapeDtypeStruct((NC, N_PAD), f32),
        mesh=mesh,
        scratch_types=[
            pltpu.VMEM_SHARED((N_PAD,), f32),
            pltpu.VMEM((_DEG_BLK, DSUB), jnp.int32),
            pltpu.VMEM((DSUB,), f32),
            pltpu.SemaphoreType.DMA,
        ],
    )
    deg = deg_fn(dst3d, ones_sub, zeros_row)

    grid_n = N_PAD // 512
    yd = pl.pallas_call(
        _prep_body,
        grid=(grid_n,),
        in_specs=[
            pl.BlockSpec((512, 1), lambda i: (i, 0)),
            pl.BlockSpec((512, 1), lambda i: (i, 0)),
            pl.BlockSpec((512, D_FEAT), lambda i: (i, 0)),
            pl.BlockSpec((D_FEAT, D_OUT), lambda i: (0, 0)),
        ],
        out_specs=pl.BlockSpec((512, 2 * D_OUT), lambda i: (i, 0)),
        out_shape=jax.ShapeDtypeStruct((N_PAD, 2 * D_OUT), f32),
    )(deg[0].reshape(N_PAD, 1), deg[1].reshape(N_PAD, 1), x_pad, wx)

    z = pl.pallas_call(
        _edge_mm_body,
        grid=(N_EDGES // 2000,),
        in_specs=[
            pl.BlockSpec((2000, D_EDGE), lambda i: (i, 0)),
            pl.BlockSpec((D_EDGE, D_OUT), lambda i: (0, 0)),
        ],
        out_specs=pl.BlockSpec((2000, D_OUT), lambda i: (i, 0)),
        out_shape=jax.ShapeDtypeStruct((N_EDGES, D_OUT), f32),
    )(edge_attr, we)

    agg_fn = pl.kernel(
        _agg_body,
        out_type=jax.ShapeDtypeStruct((NC, N_PAD, 2 * D_OUT), f32),
        mesh=mesh,
        scratch_types=[
            pltpu.VMEM_SHARED((N_PAD, 2 * D_OUT), f32),
            pltpu.VMEM((2, SUB), jnp.int32),
            pltpu.VMEM((B_E, 2 * D_OUT), f32),
            pltpu.VMEM((B_E, D_OUT), f32),
            pltpu.VMEM((2, SUB), jnp.int32),
            pltpu.VMEM((B_E, 2 * D_OUT), f32),
            pltpu.VMEM((B_E, D_OUT), f32),
            pltpu.SemaphoreType.DMA,
            pltpu.SemaphoreType.DMA,
            pltpu.SemaphoreType.DMA,
            pltpu.SemaphoreType.DMA,
            pltpu.SemaphoreType.DMA,
            pltpu.SemaphoreType.DMA,
        ],
    )
    acc = agg_fn(sd4d, yd, z, zeros_acc)

    out = pl.pallas_call(
        _final_body,
        grid=(grid_n,),
        in_specs=[
            pl.BlockSpec((512, 2 * D_OUT), lambda i: (i, 0)),
            pl.BlockSpec((512, 2 * D_OUT), lambda i: (i, 0)),
            pl.BlockSpec((512, 2 * D_OUT), lambda i: (i, 0)),
            pl.BlockSpec((512, 1), lambda i: (i, 0)),
            pl.BlockSpec((512, 1), lambda i: (i, 0)),
            pl.BlockSpec((1, D_OUT), lambda i: (0, 0)),
        ],
        out_specs=pl.BlockSpec((512, D_OUT), lambda i: (i, 0)),
        out_shape=jax.ShapeDtypeStruct((N_PAD, D_OUT), f32),
    )(acc[0], acc[1], yd, deg[0].reshape(N_PAD, 1), deg[1].reshape(N_PAD, 1),
      b.reshape(1, D_OUT))

    return out[:N_NODES]

# --- scband reference (transcript-rebuilt; emitter-appended) ---
"""Pipeline reference for scband-dock-point-net-70325794504956 (READ-ONLY COPY).

The authoritative reference and input builder live on the scoring server;
editing this copy changes nothing except your own understanding.
"""

import jax, jax.numpy as jnp
import numpy as np

N_NODES = 10000
N_EDGES = 320000
D_FEAT = 128
D_EDGE = 16
D_OUT = 64


def setup_inputs(seed: int = 0) -> dict:
    key = jax.random.key(seed)
    k1, k2, k3, k4 = jax.random.split(key, 4)
    x = jax.random.normal(k1, (N_NODES, D_FEAT), dtype=jnp.float32)
    edge_index = jax.random.randint(k2, (2, N_EDGES), 0, N_NODES, dtype=jnp.int64)
    edge_attr = jax.random.normal(k3, (N_EDGES, D_EDGE), dtype=jnp.float32)
    # GCNEConv weight: glorot init, shape (in_channels + edge_channels, out_channels)
    fan_in = D_FEAT + D_EDGE
    fan_out = D_OUT
    limit = (6.0 / (fan_in + fan_out)) ** 0.5
    W = jax.random.uniform(k4, (fan_in, fan_out), dtype=jnp.float32, minval=-limit, maxval=limit)
    b = jnp.zeros((fan_out,), dtype=jnp.float32)
    return {"x": x, "edge_index": edge_index, "edge_attr": edge_attr, "W": W, "b": b}


def reference(x, edge_index, edge_attr, W, b):
    # Faithful JAX translation of GCNEConv.forward (the gcn1 message-passing
    # core of DockPointNet): gcn_norm with self-loops, edge-attr-augmented
    # message, degree-normalized scatter-add aggregation.
    N = x.shape[0]
    src = edge_index[0]
    dst = edge_index[1]
    # gcn_norm: add self loops (fill_value=1, improved=False)
    loop = jnp.arange(N, dtype=edge_index.dtype)
    src2 = jnp.concatenate([src, loop], axis=0)
    dst2 = jnp.concatenate([dst, loop], axis=0)
    ew = jnp.ones((src2.shape[0],), dtype=x.dtype)
    deg = jnp.zeros((N,), dtype=x.dtype).at[dst2].add(ew)
    deg_inv_sqrt = jnp.where(deg > 0, deg ** -0.5, 0.0)
    norm = deg_inv_sqrt[src2] * ew * deg_inv_sqrt[dst2]
    # self-loop edge attributes are zeros, concatenated after real edges
    self_loop_attr = jnp.zeros((N, edge_attr.shape[1]), dtype=edge_attr.dtype)
    ea = jnp.concatenate([edge_attr, self_loop_attr], axis=0)
    # message: matmul(cat([x_j, edge_attr]), W); scaled by norm, plus bias
    x_j = jnp.take(x, src2, axis=0)
    msg = jnp.concatenate([x_j, ea], axis=1) @ W
    msg = norm[:, None] * msg + b
    # aggr='add': scatter-add messages into destination nodes
    out = jnp.zeros((N, W.shape[1]), dtype=x.dtype).at[dst2].add(msg)
    return out

if __name__ == "__main__":
    import jax
    _d = setup_inputs()
    print(jax.jit(kernel)(*tuple(_d.values())))

</pallas_src>

<mosaic_0001>
#map = affine_map<(d0, d1) -> (0, 0, 0, 0)>
#map1 = affine_map<(d0, d1) -> (0, 0)>
#map2 = affine_map<(d0, d1) -> (0, 0, 0)>
module attributes {stable_mosaic.version = 14 : i64} {
  func.func @_agg_body(%arg0: i32, %arg1: i32, %arg2: memref<32x125x2x80xi32, #tpu.memory_space<hbm>>, %arg3: memref<10240x128xf32, #tpu.memory_space<hbm>>, %arg4: memref<320000x64xf32, #tpu.memory_space<hbm>>, %arg5: memref<640x128xf32, #tpu.memory_space<hbm>>, %arg6: memref<2x10240x128xf32, #tpu.memory_space<hbm>>, %arg7: memref<10240x128xf32, #tpu.memory_space<vmem_shared>>, %arg8: memref<2x80xi32, #tpu.memory_space<vmem>>, %arg9: memref<80x128xf32, #tpu.memory_space<vmem>>, %arg10: memref<80x64xf32, #tpu.memory_space<vmem>>, %arg11: memref<2x80xi32, #tpu.memory_space<vmem>>, %arg12: memref<80x128xf32, #tpu.memory_space<vmem>>, %arg13: memref<80x64xf32, #tpu.memory_space<vmem>>, %arg14: memref<!tpu.dma_semaphore, #tpu.memory_space<semaphore_mem>>, %arg15: memref<!tpu.dma_semaphore, #tpu.memory_space<semaphore_mem>>, %arg16: memref<!tpu.dma_semaphore, #tpu.memory_space<semaphore_mem>>, %arg17: memref<!tpu.dma_semaphore, #tpu.memory_space<semaphore_mem>>, %arg18: memref<!tpu.dma_semaphore, #tpu.memory_space<semaphore_mem>>, %arg19: memref<!tpu.dma_semaphore, #tpu.memory_space<semaphore_mem>>) attributes {dimension_semantics = [#tpu.dimension_semantics<core_parallel>, #tpu.dimension_semantics<subcore_parallel>], iteration_bounds = array<i64: 2, 16>, scalar_prefetch = 0 : i64, scratch_operands = 13 : i64, tpu.core_type = #tpu.core_type<sc_vector_subcore>, window_params = [{transform_indices = #map}, {transform_indices = #map1}, {transform_indices = #map1}, {transform_indices = #map1}, {transform_indices = #map2}]} {
    %mul3A = arith.constant 640 : i32
    %mul3A_0 = arith.muli %arg1, %mul3A : i32
    "tpu.region"() ({
      %run_scoped3A_88 = tpu.sem_alloc : memref<!tpu.dma_semaphore, #tpu.memory_space<semaphore_mem>>
      %dma_start3A_89 = arith.constant 0 : i32
      %dma_start3A_90 = tpu.memref_slice %arg7[%mul3A_0, %dma_start3A_89] : memref<10240x128xf32, #tpu.memory_space<vmem_shared>> -> memref<640x128xf32, #tpu.memory_space<vmem_shared>>
      tpu.enqueue_dma source(%arg5 : memref<640x128xf32, #tpu.memory_space<hbm>>) target(%dma_start3A_90 : memref<640x128xf32, #tpu.memory_space<vmem_shared>>) target_semaphore(%run_scoped3A_88 : memref<!tpu.dma_semaphore, #tpu.memory_space<semaphore_mem>>)
      %dma_wait3A_91 = arith.constant 0 : i32
      %dma_wait3A_92 = tpu.memref_slice %arg7[%mul3A_0, %dma_wait3A_91] : memref<10240x128xf32, #tpu.memory_space<vmem_shared>> -> memref<640x128xf32, #tpu.memory_space<vmem_shared>>
      tpu.wait_dma2 semaphore(%run_scoped3A_88 : memref<!tpu.dma_semaphore, #tpu.memory_space<semaphore_mem>>) src(%arg5 : memref<640x128xf32, #tpu.memory_space<hbm>>) dst(%dma_wait3A_92 : memref<640x128xf32, #tpu.memory_space<vmem_shared>>)
      tpu.yield
    }) : () -> ()
    %barrier3A = arith.constant 0 : index
    tpu.barrier barrier_id(%barrier3A)
    %mul3A_1 = arith.constant 16 : i32
    %mul3A_2 = arith.muli %arg0, %mul3A_1 : i32
    %add3A = arith.addi %mul3A_2, %arg1 : i32
    %run_scoped3A = arith.constant 0 : i32
    "tpu.region"() ({
      %run_scoped3A_88 = tpu.sem_alloc : memref<!tpu.dma_semaphore, #tpu.memory_space<semaphore_mem>>
      %dma_start3A_89 = arith.constant 0 : i32
      %dma_start3A_90 = arith.constant 0 : i32
      %dma_start3A_91 = tpu.memref_slice %arg2[%add3A, %run_scoped3A, %dma_start3A_89, %dma_start3A_90] : memref<32x125x2x80xi32, #tpu.memory_space<hbm>> -> memref<1x1x2x80xi32, #tpu.memory_space<hbm>>
      %dma_start3A_92 = tpu.memref_squeeze %dma_start3A_91 : memref<1x1x2x80xi32, #tpu.memory_space<hbm>> -> memref<2x80xi32, #tpu.memory_space<hbm>>
      %dma_start3A_93 = arith.constant 0 : i32
      %dma_start3A_94 = arith.constant 0 : i32
      %dma_start3A_95 = tpu.memref_slice %arg2[%add3A, %run_scoped3A, %dma_start3A_93, %dma_start3A_94] : memref<32x125x2x80xi32, #tpu.memory_space<hbm>> -> memref<1x1x2x80xi32, #tpu.memory_space<hbm>>
      %dma_start3A_96 = tpu.memref_squeeze %dma_start3A_95 : memref<1x1x2x80xi32, #tpu.memory_space<hbm>> -> memref<2x80xi32, #tpu.memory_space<hbm>>
      tpu.enqueue_dma source(%dma_start3A_96 : memref<2x80xi32, #tpu.memory_space<hbm>>) target(%arg8 : memref<2x80xi32, #tpu.memory_space<vmem>>) target_semaphore(%run_scoped3A_88 : memref<!tpu.dma_semaphore, #tpu.memory_space<semaphore_mem>>)
      %dma_wait3A_97 = arith.constant 0 : i32
      %dma_wait3A_98 = arith.constant 0 : i32
      %dma_wait3A_99 = tpu.memref_slice %arg2[%add3A, %run_scoped3A, %dma_wait3A_97, %dma_wait3A_98] : memref<32x125x2x80xi32, #tpu.memory_space<hbm>> -> memref<1x1x2x80xi32, #tpu.memory_space<hbm>>
      %dma_wait3A_100 = tpu.memref_squeeze %dma_wait3A_99 : memref<1x1x2x80xi32, #tpu.memory_space<hbm>> -> memref<2x80xi32, #tpu.memory_space<hbm>>
      %dma_wait3A_101 = arith.constant 0 : i32
      %dma_wait3A_102 = arith.constant 0 : i32
      %dma_wait3A_103 = tpu.memref_slice %arg2[%add3A, %run_scoped3A, %dma_wait3A_101, %dma_wait3A_102] : memref<32x125x2x80xi32, #tpu.memory_space<hbm>> -> memref<1x1x2x80xi32, #tpu.memory_space<hbm>>
      %dma_wait3A_104 = tpu.memref_squeeze %dma_wait3A_103 : memref<1x1x2x80xi32, #tpu.memory_space<hbm>> -> memref<2x80xi32, #tpu.memory_space<hbm>>
      tpu.wait_dma2 semaphore(%run_scoped3A_88 : memref<!tpu.dma_semaphore, #tpu.memory_space<semaphore_mem>>) src(%dma_wait3A_104 : memref<2x80xi32, #tpu.memory_space<hbm>>) dst(%arg8 : memref<2x80xi32, #tpu.memory_space<vmem>>)
      tpu.yield
    }) : () -> ()
    %dma_start3A = arith.constant 0 : i32
    %dma_start3A_3 = arith.constant 0 : i32
    %dma_start3A_4 = tpu.memref_slice %arg8[%dma_start3A, %dma_start3A_3] : memref<2x80xi32, #tpu.memory_space<vmem>> -> memref<1x80xi32, #tpu.memory_space<vmem>>
    %dma_start3A_5 = tpu.memref_squeeze %dma_start3A_4 : memref<1x80xi32, #tpu.memory_space<vmem>> -> memref<80xi32, #tpu.memory_space<vmem>>
    %dma_start3A_6 = arith.constant 0 : i32
    %dma_start3A_7 = arith.constant 0 : i32
    %dma_start3A_8 = tpu.memref_slice %arg3[%dma_start3A_6, %dma_start3A_7] : memref<10240x128xf32, #tpu.memory_space<hbm>> -> memref<10240x128xf32, #tpu.memory_space<hbm>>
    tpu.enqueue_indirect_dma source(%dma_start3A_8 : memref<10240x128xf32, #tpu.memory_space<hbm>>) target(%arg9 : memref<80x128xf32, #tpu.memory_space<vmem>>) offsets(%dma_start3A_5 : memref<80xi32, #tpu.memory_space<vmem>>) semaphore(%arg14 : memref<!tpu.dma_semaphore, #tpu.memory_space<semaphore_mem>>)
    %mul3A_9 = arith.constant 125 : i32
    %mul3A_10 = arith.muli %add3A, %mul3A_9 : i32
    %add3A_11 = arith.constant 0 : i32
    %add3A_12 = arith.addi %mul3A_10, %add3A_11 : i32
    %mul3A_13 = arith.constant 80 : i32
    %mul3A_14 = arith.muli %add3A_12, %mul3A_13 : i32
    %dma_start3A_15 = arith.constant 0 : i32
    %dma_start3A_16 = tpu.memref_slice %arg4[%mul3A_14, %dma_start3A_15] : memref<320000x64xf32, #tpu.memory_space<hbm>> -> memref<80x64xf32, #tpu.memory_space<hbm>>
    %dma_start3A_17 = arith.constant 0 : i32
    %dma_start3A_18 = tpu.memref_slice %arg4[%mul3A_14, %dma_start3A_17] : memref<320000x64xf32, #tpu.memory_space<hbm>> -> memref<80x64xf32, #tpu.memory_space<hbm>>
    tpu.enqueue_dma source(%dma_start3A_18 : memref<80x64xf32, #tpu.memory_space<hbm>>) target(%arg10 : memref<80x64xf32, #tpu.memory_space<vmem>>) target_semaphore(%arg15 : memref<!tpu.dma_semaphore, #tpu.memory_space<semaphore_mem>>)
    %run_scoped3A_19 = arith.constant 1 : i32
    "tpu.region"() ({
      %run_scoped3A_88 = tpu.sem_alloc : memref<!tpu.dma_semaphore, #tpu.memory_space<semaphore_mem>>
      %dma_start3A_89 = arith.constant 0 : i32
      %dma_start3A_90 = arith.constant 0 : i32
      %dma_start3A_91 = tpu.memref_slice %arg2[%add3A, %run_scoped3A_19, %dma_start3A_89, %dma_start3A_90] : memref<32x125x2x80xi32, #tpu.memory_space<hbm>> -> memref<1x1x2x80xi32, #tpu.memory_space<hbm>>
      %dma_start3A_92 = tpu.memref_squeeze %dma_start3A_91 : memref<1x1x2x80xi32, #tpu.memory_space<hbm>> -> memref<2x80xi32, #tpu.memory_space<hbm>>
      %dma_start3A_93 = arith.constant 0 : i32
      %dma_start3A_94 = arith.constant 0 : i32
      %dma_start3A_95 = tpu.memref_slice %arg2[%add3A, %run_scoped3A_19, %dma_start3A_93, %dma_start3A_94] : memref<32x125x2x80xi32, #tpu.memory_space<hbm>> -> memref<1x1x2x80xi32, #tpu.memory_space<hbm>>
      %dma_start3A_96 = tpu.memref_squeeze %dma_start3A_95 : memref<1x1x2x80xi32, #tpu.memory_space<hbm>> -> memref<2x80xi32, #tpu.memory_space<hbm>>
      tpu.enqueue_dma source(%dma_start3A_96 : memref<2x80xi32, #tpu.memory_space<hbm>>) target(%arg11 : memref<2x80xi32, #tpu.memory_space<vmem>>) target_semaphore(%run_scoped3A_88 : memref<!tpu.dma_semaphore, #tpu.memory_space<semaphore_mem>>)
      %dma_wait3A_97 = arith.constant 0 : i32
      %dma_wait3A_98 = arith.constant 0 : i32
      %dma_wait3A_99 = tpu.memref_slice %arg2[%add3A, %run_scoped3A_19, %dma_wait3A_97, %dma_wait3A_98] : memref<32x125x2x80xi32, #tpu.memory_space<hbm>> -> memref<1x1x2x80xi32, #tpu.memory_space<hbm>>
      %dma_wait3A_100 = tpu.memref_squeeze %dma_wait3A_99 : memref<1x1x2x80xi32, #tpu.memory_space<hbm>> -> memref<2x80xi32, #tpu.memory_space<hbm>>
      %dma_wait3A_101 = arith.constant 0 : i32
      %dma_wait3A_102 = arith.constant 0 : i32
      %dma_wait3A_103 = tpu.memref_slice %arg2[%add3A, %run_scoped3A_19, %dma_wait3A_101, %dma_wait3A_102] : memref<32x125x2x80xi32, #tpu.memory_space<hbm>> -> memref<1x1x2x80xi32, #tpu.memory_space<hbm>>
      %dma_wait3A_104 = tpu.memref_squeeze %dma_wait3A_103 : memref<1x1x2x80xi32, #tpu.memory_space<hbm>> -> memref<2x80xi32, #tpu.memory_space<hbm>>
      tpu.wait_dma2 semaphore(%run_scoped3A_88 : memref<!tpu.dma_semaphore, #tpu.memory_space<semaphore_mem>>) src(%dma_wait3A_104 : memref<2x80xi32, #tpu.memory_space<hbm>>) dst(%arg11 : memref<2x80xi32, #tpu.memory_space<vmem>>)
      tpu.yield
    }) : () -> ()
    %dma_start3A_20 = arith.constant 0 : i32
    %dma_start3A_21 = arith.constant 0 : i32
    %dma_start3A_22 = tpu.memref_slice %arg11[%dma_start3A_20, %dma_start3A_21] : memref<2x80xi32, #tpu.memory_space<vmem>> -> memref<1x80xi32, #tpu.memory_space<vmem>>
    %dma_start3A_23 = tpu.memref_squeeze %dma_start3A_22 : memref<1x80xi32, #tpu.memory_space<vmem>> -> memref<80xi32, #tpu.memory_space<vmem>>
    %dma_start3A_24 = arith.constant 0 : i32
    %dma_start3A_25 = arith.constant 0 : i32
    %dma_start3A_26 = tpu.memref_slice %arg3[%dma_start3A_24, %dma_start3A_25] : memref<10240x128xf32, #tpu.memory_space<hbm>> -> memref<10240x128xf32, #tpu.memory_space<hbm>>
    tpu.enqueue_indirect_dma source(%dma_start3A_26 : memref<10240x128xf32, #tpu.memory_space<hbm>>) target(%arg12 : memref<80x128xf32, #tpu.memory_space<vmem>>) offsets(%dma_start3A_23 : memref<80xi32, #tpu.memory_space<vmem>>) semaphore(%arg17 : memref<!tpu.dma_semaphore, #tpu.memory_space<semaphore_mem>>)
    %mul3A_27 = arith.constant 125 : i32
    %mul3A_28 = arith.muli %add3A, %mul3A_27 : i32
    %add3A_29 = arith.constant 1 : i32
    %add3A_30 = arith.addi %mul3A_28, %add3A_29 : i32
    %mul3A_31 = arith.constant 80 : i32
    %mul3A_32 = arith.muli %add3A_30, %mul3A_31 : i32
    %dma_start3A_33 = arith.constant 0 : i32
    %dma_start3A_34 = tpu.memref_slice %arg4[%mul3A_32, %dma_start3A_33] : memref<320000x64xf32, #tpu.memory_space<hbm>> -> memref<80x64xf32, #tpu.memory_space<hbm>>
    %dma_start3A_35 = arith.constant 0 : i32
    %dma_start3A_36 = tpu.memref_slice %arg4[%mul3A_32, %dma_start3A_35] : memref<320000x64xf32, #tpu.memory_space<hbm>> -> memref<80x64xf32, #tpu.memory_space<hbm>>
    tpu.enqueue_dma source(%dma_start3A_36 : memref<80x64xf32, #tpu.memory_space<hbm>>) target(%arg13 : memref<80x64xf32, #tpu.memory_space<vmem>>) target_semaphore(%arg18 : memref<!tpu.dma_semaphore, #tpu.memory_space<semaphore_mem>>)
    %scan3A = arith.constant 0 : i32
    %scan3A_37 = arith.constant 0 : i32
    %scan3A_38 = arith.constant 62 : i32
    %scan3A_39 = arith.addi %scan3A_37, %scan3A_38 : i32
    %scan3A_40 = arith.constant 1 : i32
    %scan3A_41 = scf.for %scan3A_88 = %scan3A_37 to %scan3A_39 step %scan3A_40 iter_args(%scan3A_89 = %scan3A) -> (i32)  : i32 {
      %dma_wait3A_90 = arith.constant 0 : i32
      %dma_wait3A_91 = arith.constant 0 : i32
      %dma_wait3A_92 = tpu.memref_slice %arg8[%dma_wait3A_90, %dma_wait3A_91] : memref<2x80xi32, #tpu.memory_space<vmem>> -> memref<1x80xi32, #tpu.memory_space<vmem>>
      %dma_wait3A_93 = tpu.memref_squeeze %dma_wait3A_92 : memref<1x80xi32, #tpu.memory_space<vmem>> -> memref<80xi32, #tpu.memory_space<vmem>>
      %dma_wait3A_94 = arith.constant 0 : i32
      %dma_wait3A_95 = arith.constant 0 : i32
      %dma_wait3A_96 = tpu.memref_slice %arg3[%dma_wait3A_94, %dma_wait3A_95] : memref<10240x128xf32, #tpu.memory_space<hbm>> -> memref<10240x128xf32, #tpu.memory_space<hbm>>
      tpu.wait_indirect_dma semaphore(%arg14 : memref<!tpu.dma_semaphore, #tpu.memory_space<semaphore_mem>>) src(%dma_wait3A_96 : memref<10240x128xf32, #tpu.memory_space<hbm>>) dst(%arg9 : memref<80x128xf32, #tpu.memory_space<vmem>>)
      %dma_wait3A_97 = arith.constant 0 : i32
      %dma_wait3A_98 = arith.constant 0 : i32
      %dma_wait3A_99 = tpu.memref_slice %arg4[%dma_wait3A_97, %dma_wait3A_98] : memref<320000x64xf32, #tpu.memory_space<hbm>> -> memref<80x64xf32, #tpu.memory_space<hbm>>
      %dma_wait3A_100 = arith.constant 0 : i32
      %dma_wait3A_101 = arith.constant 0 : i32
      %dma_wait3A_102 = tpu.memref_slice %arg4[%dma_wait3A_100, %dma_wait3A_101] : memref<320000x64xf32, #tpu.memory_space<hbm>> -> memref<80x64xf32, #tpu.memory_space<hbm>>
      tpu.wait_dma2 semaphore(%arg15 : memref<!tpu.dma_semaphore, #tpu.memory_space<semaphore_mem>>) src(%dma_wait3A_102 : memref<80x64xf32, #tpu.memory_space<hbm>>) dst(%arg10 : memref<80x64xf32, #tpu.memory_space<vmem>>)
      %scan3A_103 = arith.constant 0 : i32
      %scan3A_104 = arith.constant 0 : i32
      %scan3A_105 = arith.constant 80 : i32
      %scan3A_106 = arith.addi %scan3A_104, %scan3A_105 : i32
      %scan3A_107 = arith.constant 1 : i32
      %scan3A_108 = scf.for %scan3A_160 = %scan3A_104 to %scan3A_106 step %scan3A_107 iter_args(%scan3A_161 = %scan3A_103) -> (i32)  : i32 {
        %get3A = arith.index_cast %scan3A_160 : i32 to index
        %get3A_162 = arith.constant 64 : index
        %get3A_163 = tpu.vector_load %arg9[%get3A, %get3A_162] {strides = array<i32>} : memref<80x128xf32, #tpu.memory_space<vmem>>, vector<1x16xf32>,
        %get3A_164 = vector.shape_cast %get3A_163 : vector<1x16xf32> to vector<16xf32>
        %get3A_165 = arith.index_cast %scan3A_160 : i32 to index
        %get3A_166 = arith.constant 0 : index
        %get3A_167 = tpu.vector_load %arg9[%get3A_165, %get3A_166] {strides = array<i32>} : memref<80x128xf32, #tpu.memory_space<vmem>>, vector<1x16xf32>,
        %get3A_168 = vector.shape_cast %get3A_167 : vector<1x16xf32> to vector<16xf32>
        %get3A_169 = arith.index_cast %scan3A_160 : i32 to index
        %get3A_170 = arith.constant 0 : index
        %get3A_171 = tpu.vector_load %arg10[%get3A_169, %get3A_170] {strides = array<i32>} : memref<80x64xf32, #tpu.memory_space<vmem>>, vector<1x16xf32>,
        %get3A_172 = vector.shape_cast %get3A_171 : vector<1x16xf32> to vector<16xf32>
        %mul3A_173 = arith.mulf %get3A_164, %get3A_172 : vector<16xf32>
        %add3A_174 = arith.addf %get3A_168, %mul3A_173 : vector<16xf32>
        %swap3A = arith.index_cast %scan3A_160 : i32 to index
        %swap3A_175 = arith.constant 0 : index
        %swap3A_176 = tpu.vector_load %arg9[%swap3A, %swap3A_175] {strides = array<i32>} : memref<80x128xf32, #tpu.memory_space<vmem>>, vector<1x16xf32>,
        %swap3A_177 = vector.shape_cast %swap3A_176 : vector<1x16xf32> to vector<16xf32>
        %swap3A_178 = vector.shape_cast %add3A_174 : vector<16xf32> to vector<1x16xf32>
        tpu.vector_store %arg9[%swap3A, %swap3A_175], %swap3A_178 {strides = array<i32>} : memref<80x128xf32, #tpu.memory_space<vmem>>, vector<1x16xf32>,
        %get3A_179 = arith.index_cast %scan3A_160 : i32 to index
        %get3A_180 = arith.constant 16 : index
        %get3A_181 = tpu.vector_load %arg9[%get3A_179, %get3A_180] {strides = array<i32>} : memref<80x128xf32, #tpu.memory_space<vmem>>, vector<1x16xf32>,
        %get3A_182 = vector.shape_cast %get3A_181 : vector<1x16xf32> to vector<16xf32>
        %get3A_183 = arith.index_cast %scan3A_160 : i32 to index
        %get3A_184 = arith.constant 16 : index
        %get3A_185 = tpu.vector_load %arg10[%get3A_183, %get3A_184] {strides = array<i32>} : memref<80x64xf32, #tpu.memory_space<vmem>>, vector<1x16xf32>,
        %get3A_186 = vector.shape_cast %get3A_185 : vector<1x16xf32> to vector<16xf32>
        %mul3A_187 = arith.mulf %get3A_164, %get3A_186 : vector<16xf32>
        %add3A_188 = arith.addf %get3A_182, %mul3A_187 : vector<16xf32>
        %swap3A_189 = arith.index_cast %scan3A_160 : i32 to index
        %swap3A_190 = arith.constant 16 : index
        %swap3A_191 = tpu.vector_load %arg9[%swap3A_189, %swap3A_190] {strides = array<i32>} : memref<80x128xf32, #tpu.memory_space<vmem>>, vector<1x16xf32>,
        %swap3A_192 = vector.shape_cast %swap3A_191 : vector<1x16xf32> to vector<16xf32>
        %swap3A_193 = vector.shape_cast %add3A_188 : vector<16xf32> to vector<1x16xf32>
        tpu.vector_store %arg9[%swap3A_189, %swap3A_190], %swap3A_193 {strides = array<i32>} : memref<80x128xf32, #tpu.memory_space<vmem>>, vector<1x16xf32>,
        %get3A_194 = arith.index_cast %scan3A_160 : i32 to index
        %get3A_195 = arith.constant 32 : index
        %get3A_196 = tpu.vector_load %arg9[%get3A_194, %get3A_195] {strides = array<i32>} : memref<80x128xf32, #tpu.memory_space<vmem>>, vector<1x16xf32>,
        %get3A_197 = vector.shape_cast %get3A_196 : vector<1x16xf32> to vector<16xf32>
        %get3A_198 = arith.index_cast %scan3A_160 : i32 to index
        %get3A_199 = arith.constant 32 : index
        %get3A_200 = tpu.vector_load %arg10[%get3A_198, %get3A_199] {strides = array<i32>} : memref<80x64xf32, #tpu.memory_space<vmem>>, vector<1x16xf32>,
        %get3A_201 = vector.shape_cast %get3A_200 : vector<1x16xf32> to vector<16xf32>
        %mul3A_202 = arith.mulf %get3A_164, %get3A_201 : vector<16xf32>
        %add3A_203 = arith.addf %get3A_197, %mul3A_202 : vector<16xf32>
        %swap3A_204 = arith.index_cast %scan3A_160 : i32 to index
        %swap3A_205 = arith.constant 32 : index
        %swap3A_206 = tpu.vector_load %arg9[%swap3A_204, %swap3A_205] {strides = array<i32>} : memref<80x128xf32, #tpu.memory_space<vmem>>, vector<1x16xf32>,
        %swap3A_207 = vector.shape_cast %swap3A_206 : vector<1x16xf32> to vector<16xf32>
        %swap3A_208 = vector.shape_cast %add3A_203 : vector<16xf32> to vector<1x16xf32>
        tpu.vector_store %arg9[%swap3A_204, %swap3A_205], %swap3A_208 {strides = array<i32>} : memref<80x128xf32, #tpu.memory_space<vmem>>, vector<1x16xf32>,
        %get3A_209 = arith.index_cast %scan3A_160 : i32 to index
        %get3A_210 = arith.constant 48 : index
        %get3A_211 = tpu.vector_load %arg9[%get3A_209, %get3A_210] {strides = array<i32>} : memref<80x128xf32, #tpu.memory_space<vmem>>, vector<1x16xf32>,
        %get3A_212 = vector.shape_cast %get3A_211 : vector<1x16xf32> to vector<16xf32>
        %get3A_213 = arith.index_cast %scan3A_160 : i32 to index
        %get3A_214 = arith.constant 48 : index
        %get3A_215 = tpu.vector_load %arg10[%get3A_213, %get3A_214] {strides = array<i32>} : memref<80x64xf32, #tpu.memory_space<vmem>>, vector<1x16xf32>,
        %get3A_216 = vector.shape_cast %get3A_215 : vector<1x16xf32> to vector<16xf32>
        %mul3A_217 = arith.mulf %get3A_164, %get3A_216 : vector<16xf32>
        %add3A_218 = arith.addf %get3A_212, %mul3A_217 : vector<16xf32>
        %swap3A_219 = arith.index_cast %scan3A_160 : i32 to index
        %swap3A_220 = arith.constant 48 : index
        %swap3A_221 = tpu.vector_load %arg9[%swap3A_219, %swap3A_220] {strides = array<i32>} : memref<80x128xf32, #tpu.memory_space<vmem>>, vector<1x16xf32>,
        %swap3A_222 = vector.shape_cast %swap3A_221 : vector<1x16xf32> to vector<16xf32>
        %swap3A_223 = vector.shape_cast %add3A_218 : vector<16xf32> to vector<1x16xf32>
        tpu.vector_store %arg9[%swap3A_219, %swap3A_220], %swap3A_223 {strides = array<i32>} : memref<80x128xf32, #tpu.memory_space<vmem>>, vector<1x16xf32>,
        %scan3A_224 = arith.constant 0 : i32
        scf.yield %scan3A_224 : i32
      }
      %scan3A_109 = arith.constant 80 : i32
      %dma_start3A_110 = arith.constant 1 : i32
      %dma_start3A_111 = arith.constant 0 : i32
      %dma_start3A_112 = tpu.memref_slice %arg8[%dma_start3A_110, %dma_start3A_111] : memref<2x80xi32, #tpu.memory_space<vmem>> -> memref<1x80xi32, #tpu.memory_space<vmem>>
      %dma_start3A_113 = tpu.memref_squeeze %dma_start3A_112 : memref<1x80xi32, #tpu.memory_space<vmem>> -> memref<80xi32, #tpu.memory_space<vmem>>
      %dma_start3A_114 = arith.constant 0 : i32
      %dma_start3A_115 = arith.constant 0 : i32
      %dma_start3A_116 = tpu.memref_slice %arg7[%dma_start3A_114, %dma_start3A_115] : memref<10240x128xf32, #tpu.memory_space<vmem_shared>> -> memref<10240x128xf32, #tpu.memory_space<vmem_shared>>
      tpu.enqueue_indirect_dma source(%arg9 : memref<80x128xf32, #tpu.memory_space<vmem>>) target(%dma_start3A_116 : memref<10240x128xf32, #tpu.memory_space<vmem_shared>>) offsets(%dma_start3A_113 : memref<80xi32, #tpu.memory_space<vmem>>) semaphore(%arg16 : memref<!tpu.dma_semaphore, #tpu.memory_space<semaphore_mem>>) {add = true}
      %mul3A_117 = arith.constant 2 : i32
      %mul3A_118 = arith.muli %mul3A_117, %scan3A_88 : i32
      %add3A_119 = arith.constant 2 : i32
      %add3A_120 = arith.addi %mul3A_118, %add3A_119 : i32
      %lt3A = arith.constant 125 : i32
      %lt3A_121 = arith.cmpi slt, %add3A_120, %lt3A : i32
      %convert_element_type3A = arith.extui %lt3A_121 : i1 to i32
      %cond3A = arith.constant 0 : i32
      %cond3A_122 = arith.cmpi ne, %convert_element_type3A, %cond3A : i32
      scf.if %cond3A_122 {
        %dma_wait3A_160 = arith.constant 1 : i32
        %dma_wait3A_161 = arith.constant 0 : i32
        %dma_wait3A_162 = tpu.memref_slice %arg8[%dma_wait3A_160, %dma_wait3A_161] : memref<2x80xi32, #tpu.memory_space<vmem>> -> memref<1x80xi32, #tpu.memory_space<vmem>>
        %dma_wait3A_163 = tpu.memref_squeeze %dma_wait3A_162 : memref<1x80xi32, #tpu.memory_space<vmem>> -> memref<80xi32, #tpu.memory_space<vmem>>
        %dma_wait3A_164 = arith.constant 0 : i32
        %dma_wait3A_165 = arith.constant 0 : i32
        %dma_wait3A_166 = tpu.memref_slice %arg7[%dma_wait3A_164, %dma_wait3A_165] : memref<10240x128xf32, #tpu.memory_space<vmem_shared>> -> memref<10240x128xf32, #tpu.memory_space<vmem_shared>>
        tpu.wait_indirect_dma semaphore(%arg16 : memref<!tpu.dma_semaphore, #tpu.memory_space<semaphore_mem>>) src(%arg9 : memref<80x128xf32, #tpu.memory_space<vmem>>) dst(%dma_wait3A_166 : memref<10240x128xf32, #tpu.memory_space<vmem_shared>>)
        %mul3A_167 = arith.constant 2 : i32
        %mul3A_168 = arith.muli %mul3A_167, %scan3A_88 : i32
        %add3A_169 = arith.constant 2 : i32
        %add3A_170 = arith.addi %mul3A_168, %add3A_169 : i32
        "tpu.region"() ({
          %run_scoped3A_187 = tpu.sem_alloc : memref<!tpu.dma_semaphore, #tpu.memory_space<semaphore_mem>>
          %dma_start3A_188 = arith.constant 0 : i32
          %dma_start3A_189 = arith.constant 0 : i32
          %dma_start3A_190 = tpu.memref_slice %arg2[%add3A, %add3A_170, %dma_start3A_188, %dma_start3A_189] : memref<32x125x2x80xi32, #tpu.memory_space<hbm>> -> memref<1x1x2x80xi32, #tpu.memory_space<hbm>>
          %dma_start3A_191 = tpu.memref_squeeze %dma_start3A_190 : memref<1x1x2x80xi32, #tpu.memory_space<hbm>> -> memref<2x80xi32, #tpu.memory_space<hbm>>
          %dma_start3A_192 = arith.constant 0 : i32
          %dma_start3A_193 = arith.constant 0 : i32
          %dma_start3A_194 = tpu.memref_slice %arg2[%add3A, %add3A_170, %dma_start3A_192, %dma_start3A_193] : memref<32x125x2x80xi32, #tpu.memory_space<hbm>> -> memref<1x1x2x80xi32, #tpu.memory_space<hbm>>
          %dma_start3A_195 = tpu.memref_squeeze %dma_start3A_194 : memref<1x1x2x80xi32, #tpu.memory_space<hbm>> -> memref<2x80xi32, #tpu.memory_space<hbm>>
          tpu.enqueue_dma source(%dma_start3A_195 : memref<2x80xi32, #tpu.memory_space<hbm>>) target(%arg8 : memref<2x80xi32, #tpu.memory_space<vmem>>) target_semaphore(%run_scoped3A_187 : memref<!tpu.dma_semaphore, #tpu.memory_space<semaphore_mem>>)
          %dma_wait3A_196 = arith.constant 0 : i32
          %dma_wait3A_197 = arith.constant 0 : i32
          %dma_wait3A_198 = tpu.memref_slice %arg2[%add3A, %add3A_170, %dma_wait3A_196, %dma_wait3A_197] : memref<32x125x2x80xi32, #tpu.memory_space<hbm>> -> memref<1x1x2x80xi32, #tpu.memory_space<hbm>>
          %dma_wait3A_199 = tpu.memref_squeeze %dma_wait3A_198 : memref<1x1x2x80xi32, #tpu.memory_space<hbm>> -> memref<2x80xi32, #tpu.memory_space<hbm>>
          %dma_wait3A_200 = arith.constant 0 : i32
          %dma_wait3A_201 = arith.constant 0 : i32
          %dma_wait3A_202 = tpu.memref_slice %arg2[%add3A, %add3A_170, %dma_wait3A_200, %dma_wait3A_201] : memref<32x125x2x80xi32, #tpu.memory_space<hbm>> -> memref<1x1x2x80xi32, #tpu.memory_space<hbm>>
          %dma_wait3A_203 = tpu.memref_squeeze %dma_wait3A_202 : memref<1x1x2x80xi32, #tpu.memory_space<hbm>> -> memref<2x80xi32, #tpu.memory_space<hbm>>
          tpu.wait_dma2 semaphore(%run_scoped3A_187 : memref<!tpu.dma_semaphore, #tpu.memory_space<semaphore_mem>>) src(%dma_wait3A_203 : memref<2x80xi32, #tpu.memory_space<hbm>>) dst(%arg8 : memref<2x80xi32, #tpu.memory_space<vmem>>)
          tpu.yield
        }) : () -> ()
        %dma_start3A_171 = arith.constant 0 : i32
        %dma_start3A_172 = arith.constant 0 : i32
        %dma_start3A_173 = tpu.memref_slice %arg8[%dma_start3A_171, %dma_start3A_172] : memref<2x80xi32, #tpu.memory_space<vmem>> -> memref<1x80xi32, #tpu.memory_space<vmem>>
        %dma_start3A_174 = tpu.memref_squeeze %dma_start3A_173 : memref<1x80xi32, #tpu.memory_space<vmem>> -> memref<80xi32, #tpu.memory_space<vmem>>
        %dma_start3A_175 = arith.constant 0 : i32
        %dma_start3A_176 = arith.constant 0 : i32
        %dma_start3A_177 = tpu.memref_slice %arg3[%dma_start3A_175, %dma_start3A_176] : memref<10240x128xf32, #tpu.memory_space<hbm>> -> memref<10240x128xf32, #tpu.memory_space<hbm>>
        tpu.enqueue_indirect_dma source(%dma_start3A_177 : memref<10240x128xf32, #tpu.memory_space<hbm>>) target(%arg9 : memref<80x128xf32, #tpu.memory_space<vmem>>) offsets(%dma_start3A_174 : memref<80xi32, #tpu.memory_space<vmem>>) semaphore(%arg14 : memref<!tpu.dma_semaphore, #tpu.memory_space<semaphore_mem>>)
        %mul3A_178 = arith.constant 125 : i32
        %mul3A_179 = arith.muli %add3A, %mul3A_178 : i32
        %add3A_180 = arith.addi %mul3A_179, %add3A_170 : i32
        %mul3A_181 = arith.constant 80 : i32
        %mul3A_182 = arith.muli %add3A_180, %mul3A_181 : i32
        %dma_start3A_183 = arith.constant 0 : i32
        %dma_start3A_184 = tpu.memref_slice %arg4[%mul3A_182, %dma_start3A_183] : memref<320000x64xf32, #tpu.memory_space<hbm>> -> memref<80x64xf32, #tpu.memory_space<hbm>>
        %dma_start3A_185 = arith.constant 0 : i32
        %dma_start3A_186 = tpu.memref_slice %arg4[%mul3A_182, %dma_start3A_185] : memref<320000x64xf32, #tpu.memory_space<hbm>> -> memref<80x64xf32, #tpu.memory_space<hbm>>
        tpu.enqueue_dma source(%dma_start3A_186 : memref<80x64xf32, #tpu.memory_space<hbm>>) target(%arg10 : memref<80x64xf32, #tpu.memory_space<vmem>>) target_semaphore(%arg15 : memref<!tpu.dma_semaphore, #tpu.memory_space<semaphore_mem>>)
      } else {
      }
      %dma_wait3A_123 = arith.constant 0 : i32
      %dma_wait3A_124 = arith.constant 0 : i32
      %dma_wait3A_125 = tpu.memref_slice %arg11[%dma_wait3A_123, %dma_wait3A_124] : memref<2x80xi32, #tpu.memory_space<vmem>> -> memref<1x80xi32, #tpu.memory_space<vmem>>
      %dma_wait3A_126 = tpu.memref_squeeze %dma_wait3A_125 : memref<1x80xi32, #tpu.memory_space<vmem>> -> memref<80xi32, #tpu.memory_space<vmem>>
      %dma_wait3A_127 = arith.constant 0 : i32
      %dma_wait3A_128 = arith.constant 0 : i32
      %dma_wait3A_129 = tpu.memref_slice %arg3[%dma_wait3A_127, %dma_wait3A_128] : memref<10240x128xf32, #tpu.memory_space<hbm>> -> memref<10240x128xf32, #tpu.memory_space<hbm>>
      tpu.wait_indirect_dma semaphore(%arg17 : memref<!tpu.dma_semaphore, #tpu.memory_space<semaphore_mem>>) src(%dma_wait3A_129 : memref<10240x128xf32, #tpu.memory_space<hbm>>) dst(%arg12 : memref<80x128xf32, #tpu.memory_space<vmem>>)
      %dma_wait3A_130 = arith.constant 0 : i32
      %dma_wait3A_131 = arith.constant 0 : i32
      %dma_wait3A_132 = tpu.memref_slice %arg4[%dma_wait3A_130, %dma_wait3A_131] : memref<320000x64xf32, #tpu.memory_space<hbm>> -> memref<80x64xf32, #tpu.memory_space<hbm>>
      %dma_wait3A_133 = arith.constant 0 : i32
      %dma_wait3A_134 = arith.constant 0 : i32
      %dma_wait3A_135 = tpu.memref_slice %arg4[%dma_wait3A_133, %dma_wait3A_134] : memref<320000x64xf32, #tpu.memory_space<hbm>> -> memref<80x64xf32, #tpu.memory_space<hbm>>
      tpu.wait_dma2 semaphore(%arg18 : memref<!tpu.dma_semaphore, #tpu.memory_space<semaphore_mem>>) src(%dma_wait3A_135 : memref<80x64xf32, #tpu.memory_space<hbm>>) dst(%arg13 : memref<80x64xf32, #tpu.memory_space<vmem>>)
      %scan3A_136 = arith.constant 0 : i32
      %scan3A_137 = arith.constant 0 : i32
      %scan3A_138 = arith.constant 80 : i32
      %scan3A_139 = arith.addi %scan3A_137, %scan3A_138 : i32
      %scan3A_140 = arith.constant 1 : i32
      %scan3A_141 = scf.for %scan3A_160 = %scan3A_137 to %scan3A_139 step %scan3A_140 iter_args(%scan3A_161 = %scan3A_136) -> (i32)  : i32 {
        %get3A = arith.index_cast %scan3A_160 : i32 to index
        %get3A_162 = arith.constant 64 : index
        %get3A_163 = tpu.vector_load %arg12[%get3A, %get3A_162] {strides = array<i32>} : memref<80x128xf32, #tpu.memory_space<vmem>>, vector<1x16xf32>,
        %get3A_164 = vector.shape_cast %get3A_163 : vector<1x16xf32> to vector<16xf32>
        %get3A_165 = arith.index_cast %scan3A_160 : i32 to index
        %get3A_166 = arith.constant 0 : index
        %get3A_167 = tpu.vector_load %arg12[%get3A_165, %get3A_166] {strides = array<i32>} : memref<80x128xf32, #tpu.memory_space<vmem>>, vector<1x16xf32>,
        %get3A_168 = vector.shape_cast %get3A_167 : vector<1x16xf32> to vector<16xf32>
        %get3A_169 = arith.index_cast %scan3A_160 : i32 to index
        %get3A_170 = arith.constant 0 : index
        %get3A_171 = tpu.vector_load %arg13[%get3A_169, %get3A_170] {strides = array<i32>} : memref<80x64xf32, #tpu.memory_space<vmem>>, vector<1x16xf32>,
        %get3A_172 = vector.shape_cast %get3A_171 : vector<1x16xf32> to vector<16xf32>
        %mul3A_173 = arith.mulf %get3A_164, %get3A_172 : vector<16xf32>
        %add3A_174 = arith.addf %get3A_168, %mul3A_173 : vector<16xf32>
        %swap3A = arith.index_cast %scan3A_160 : i32 to index
        %swap3A_175 = arith.constant 0 : index
        %swap3A_176 = tpu.vector_load %arg12[%swap3A, %swap3A_175] {strides = array<i32>} : memref<80x128xf32, #tpu.memory_space<vmem>>, vector<1x16xf32>,
        %swap3A_177 = vector.shape_cast %swap3A_176 : vector<1x16xf32> to vector<16xf32>
        %swap3A_178 = vector.shape_cast %add3A_174 : vector<16xf32> to vector<1x16xf32>
        tpu.vector_store %arg12[%swap3A, %swap3A_175], %swap3A_178 {strides = array<i32>} : memref<80x128xf32, #tpu.memory_space<vmem>>, vector<1x16xf32>,
        %get3A_179 = arith.index_cast %scan3A_160 : i32 to index
        %get3A_180 = arith.constant 16 : index
        %get3A_181 = tpu.vector_load %arg12[%get3A_179, %get3A_180] {strides = array<i32>} : memref<80x128xf32, #tpu.memory_space<vmem>>, vector<1x16xf32>,
        %get3A_182 = vector.shape_cast %get3A_181 : vector<1x16xf32> to vector<16xf32>
        %get3A_183 = arith.index_cast %scan3A_160 : i32 to index
        %get3A_184 = arith.constant 16 : index
        %get3A_185 = tpu.vector_load %arg13[%get3A_183, %get3A_184] {strides = array<i32>} : memref<80x64xf32, #tpu.memory_space<vmem>>, vector<1x16xf32>,
        %get3A_186 = vector.shape_cast %get3A_185 : vector<1x16xf32> to vector<16xf32>
        %mul3A_187 = arith.mulf %get3A_164, %get3A_186 : vector<16xf32>
        %add3A_188 = arith.addf %get3A_182, %mul3A_187 : vector<16xf32>
        %swap3A_189 = arith.index_cast %scan3A_160 : i32 to index
        %swap3A_190 = arith.constant 16 : index
        %swap3A_191 = tpu.vector_load %arg12[%swap3A_189, %swap3A_190] {strides = array<i32>} : memref<80x128xf32, #tpu.memory_space<vmem>>, vector<1x16xf32>,
        %swap3A_192 = vector.shape_cast %swap3A_191 : vector<1x16xf32> to vector<16xf32>
        %swap3A_193 = vector.shape_cast %add3A_188 : vector<16xf32> to vector<1x16xf32>
        tpu.vector_store %arg12[%swap3A_189, %swap3A_190], %swap3A_193 {strides = array<i32>} : memref<80x128xf32, #tpu.memory_space<vmem>>, vector<1x16xf32>,
        %get3A_194 = arith.index_cast %scan3A_160 : i32 to index
        %get3A_195 = arith.constant 32 : index
        %get3A_196 = tpu.vector_load %arg12[%get3A_194, %get3A_195] {strides = array<i32>} : memref<80x128xf32, #tpu.memory_space<vmem>>, vector<1x16xf32>,
        %get3A_197 = vector.shape_cast %get3A_196 : vector<1x16xf32> to vector<16xf32>
        %get3A_198 = arith.index_cast %scan3A_160 : i32 to index
        %get3A_199 = arith.constant 32 : index
        %get3A_200 = tpu.vector_load %arg13[%get3A_198, %get3A_199] {strides = array<i32>} : memref<80x64xf32, #tpu.memory_space<vmem>>, vector<1x16xf32>,
        %get3A_201 = vector.shape_cast %get3A_200 : vector<1x16xf32> to vector<16xf32>
        %mul3A_202 = arith.mulf %get3A_164, %get3A_201 : vector<16xf32>
        %add3A_203 = arith.addf %get3A_197, %mul3A_202 : vector<16xf32>
        %swap3A_204 = arith.index_cast %scan3A_160 : i32 to index
        %swap3A_205 = arith.constant 32 : index
        %swap3A_206 = tpu.vector_load %arg12[%swap3A_204, %swap3A_205] {strides = array<i32>} : memref<80x128xf32, #tpu.memory_space<vmem>>, vector<1x16xf32>,
        %swap3A_207 = vector.shape_cast %swap3A_206 : vector<1x16xf32> to vector<16xf32>
        %swap3A_208 = vector.shape_cast %add3A_203 : vector<16xf32> to vector<1x16xf32>
        tpu.vector_store %arg12[%swap3A_204, %swap3A_205], %swap3A_208 {strides = array<i32>} : memref<80x128xf32, #tpu.memory_space<vmem>>, vector<1x16xf32>,
        %get3A_209 = arith.index_cast %scan3A_160 : i32 to index
        %get3A_210 = arith.constant 48 : index
        %get3A_211 = tpu.vector_load %arg12[%get3A_209, %get3A_210] {strides = array<i32>} : memref<80x128xf32, #tpu.memory_space<vmem>>, vector<1x16xf32>,
        %get3A_212 = vector.shape_cast %get3A_211 : vector<1x16xf32> to vector<16xf32>
        %get3A_213 = arith.index_cast %scan3A_160 : i32 to index
        %get3A_214 = arith.constant 48 : index
        %get3A_215 = tpu.vector_load %arg13[%get3A_213, %get3A_214] {strides = array<i32>} : memref<80x64xf32, #tpu.memory_space<vmem>>, vector<1x16xf32>,
        %get3A_216 = vector.shape_cast %get3A_215 : vector<1x16xf32> to vector<16xf32>
        %mul3A_217 = arith.mulf %get3A_164, %get3A_216 : vector<16xf32>
        %add3A_218 = arith.addf %get3A_212, %mul3A_217 : vector<16xf32>
        %swap3A_219 = arith.index_cast %scan3A_160 : i32 to index
        %swap3A_220 = arith.constant 48 : index
        %swap3A_221 = tpu.vector_load %arg12[%swap3A_219, %swap3A_220] {strides = array<i32>} : memref<80x128xf32, #tpu.memory_space<vmem>>, vector<1x16xf32>,
        %swap3A_222 = vector.shape_cast %swap3A_221 : vector<1x16xf32> to vector<16xf32>
        %swap3A_223 = vector.shape_cast %add3A_218 : vector<16xf32> to vector<1x16xf32>
        tpu.vector_store %arg12[%swap3A_219, %swap3A_220], %swap3A_223 {strides = array<i32>} : memref<80x128xf32, #tpu.memory_space<vmem>>, vector<1x16xf32>,
        %scan3A_224 = arith.constant 0 : i32
        scf.yield %scan3A_224 : i32
      }
      %scan3A_142 = arith.constant 80 : i32
      %dma_start3A_143 = arith.constant 1 : i32
      %dma_start3A_144 = arith.constant 0 : i32
      %dma_start3A_145 = tpu.memref_slice %arg11[%dma_start3A_143, %dma_start3A_144] : memref<2x80xi32, #tpu.memory_space<vmem>> -> memref<1x80xi32, #tpu.memory_space<vmem>>
      %dma_start3A_146 = tpu.memref_squeeze %dma_start3A_145 : memref<1x80xi32, #tpu.memory_space<vmem>> -> memref<80xi32, #tpu.memory_space<vmem>>
      %dma_start3A_147 = arith.constant 0 : i32
      %dma_start3A_148 = arith.constant 0 : i32
      %dma_start3A_149 = tpu.memref_slice %arg7[%dma_start3A_147, %dma_start3A_148] : memref<10240x128xf32, #tpu.memory_space<vmem_shared>> -> memref<10240x128xf32, #tpu.memory_space<vmem_shared>>
      tpu.enqueue_indirect_dma source(%arg12 : memref<80x128xf32, #tpu.memory_space<vmem>>) target(%dma_start3A_149 : memref<10240x128xf32, #tpu.memory_space<vmem_shared>>) offsets(%dma_start3A_146 : memref<80xi32, #tpu.memory_space<vmem>>) semaphore(%arg19 : memref<!tpu.dma_semaphore, #tpu.memory_space<semaphore_mem>>) {add = true}
      %mul3A_150 = arith.constant 2 : i32
      %mul3A_151 = arith.muli %mul3A_150, %scan3A_88 : i32
      %add3A_152 = arith.constant 3 : i32
      %add3A_153 = arith.addi %mul3A_151, %add3A_152 : i32
      %lt3A_154 = arith.constant 125 : i32
      %lt3A_155 = arith.cmpi slt, %add3A_153, %lt3A_154 : i32
      %convert_element_type3A_156 = arith.extui %lt3A_155 : i1 to i32
      %cond3A_157 = arith.constant 0 : i32
      %cond3A_158 = arith.cmpi ne, %convert_element_type3A_156, %cond3A_157 : i32
      scf.if %cond3A_158 {
        %dma_wait3A_160 = arith.constant 1 : i32
        %dma_wait3A_161 = arith.constant 0 : i32
        %dma_wait3A_162 = tpu.memref_slice %arg11[%dma_wait3A_160, %dma_wait3A_161] : memref<2x80xi32, #tpu.memory_space<vmem>> -> memref<1x80xi32, #tpu.memory_space<vmem>>
        %dma_wait3A_163 = tpu.memref_squeeze %dma_wait3A_162 : memref<1x80xi32, #tpu.memory_space<vmem>> -> memref<80xi32, #tpu.memory_space<vmem>>
        %dma_wait3A_164 = arith.constant 0 : i32
        %dma_wait3A_165 = arith.constant 0 : i32
        %dma_wait3A_166 = tpu.memref_slice %arg7[%dma_wait3A_164, %dma_wait3A_165] : memref<10240x128xf32, #tpu.memory_space<vmem_shared>> -> memref<10240x128xf32, #tpu.memory_space<vmem_shared>>
        tpu.wait_indirect_dma semaphore(%arg19 : memref<!tpu.dma_semaphore, #tpu.memory_space<semaphore_mem>>) src(%arg12 : memref<80x128xf32, #tpu.memory_space<vmem>>) dst(%dma_wait3A_166 : memref<10240x128xf32, #tpu.memory_space<vmem_shared>>)
        %mul3A_167 = arith.constant 2 : i32
        %mul3A_168 = arith.muli %mul3A_167, %scan3A_88 : i32
        %add3A_169 = arith.constant 3 : i32
        %add3A_170 = arith.addi %mul3A_168, %add3A_169 : i32
        "tpu.region"() ({
          %run_scoped3A_187 = tpu.sem_alloc : memref<!tpu.dma_semaphore, #tpu.memory_space<semaphore_mem>>
          %dma_start3A_188 = arith.constant 0 : i32
          %dma_start3A_189 = arith.constant 0 : i32
          %dma_start3A_190 = tpu.memref_slice %arg2[%add3A, %add3A_170, %dma_start3A_188, %dma_start3A_189] : memref<32x125x2x80xi32, #tpu.memory_space<hbm>> -> memref<1x1x2x80xi32, #tpu.memory_space<hbm>>
          %dma_start3A_191 = tpu.memref_squeeze %dma_start3A_190 : memref<1x1x2x80xi32, #tpu.memory_space<hbm>> -> memref<2x80xi32, #tpu.memory_space<hbm>>
          %dma_start3A_192 = arith.constant 0 : i32
          %dma_start3A_193 = arith.constant 0 : i32
          %dma_start3A_194 = tpu.memref_slice %arg2[%add3A, %add3A_170, %dma_start3A_192, %dma_start3A_193] : memref<32x125x2x80xi32, #tpu.memory_space<hbm>> -> memref<1x1x2x80xi32, #tpu.memory_space<hbm>>
          %dma_start3A_195 = tpu.memref_squeeze %dma_start3A_194 : memref<1x1x2x80xi32, #tpu.memory_space<hbm>> -> memref<2x80xi32, #tpu.memory_space<hbm>>
          tpu.enqueue_dma source(%dma_start3A_195 : memref<2x80xi32, #tpu.memory_space<hbm>>) target(%arg11 : memref<2x80xi32, #tpu.memory_space<vmem>>) target_semaphore(%run_scoped3A_187 : memref<!tpu.dma_semaphore, #tpu.memory_space<semaphore_mem>>)
          %dma_wait3A_196 = arith.constant 0 : i32
          %dma_wait3A_197 = arith.constant 0 : i32
          %dma_wait3A_198 = tpu.memref_slice %arg2[%add3A, %add3A_170, %dma_wait3A_196, %dma_wait3A_197] : memref<32x125x2x80xi32, #tpu.memory_space<hbm>> -> memref<1x1x2x80xi32, #tpu.memory_space<hbm>>
          %dma_wait3A_199 = tpu.memref_squeeze %dma_wait3A_198 : memref<1x1x2x80xi32, #tpu.memory_space<hbm>> -> memref<2x80xi32, #tpu.memory_space<hbm>>
          %dma_wait3A_200 = arith.constant 0 : i32
          %dma_wait3A_201 = arith.constant 0 : i32
          %dma_wait3A_202 = tpu.memref_slice %arg2[%add3A, %add3A_170, %dma_wait3A_200, %dma_wait3A_201] : memref<32x125x2x80xi32, #tpu.memory_space<hbm>> -> memref<1x1x2x80xi32, #tpu.memory_space<hbm>>
          %dma_wait3A_203 = tpu.memref_squeeze %dma_wait3A_202 : memref<1x1x2x80xi32, #tpu.memory_space<hbm>> -> memref<2x80xi32, #tpu.memory_space<hbm>>
          tpu.wait_dma2 semaphore(%run_scoped3A_187 : memref<!tpu.dma_semaphore, #tpu.memory_space<semaphore_mem>>) src(%dma_wait3A_203 : memref<2x80xi32, #tpu.memory_space<hbm>>) dst(%arg11 : memref<2x80xi32, #tpu.memory_space<vmem>>)
          tpu.yield
        }) : () -> ()
        %dma_start3A_171 = arith.constant 0 : i32
        %dma_start3A_172 = arith.constant 0 : i32
        %dma_start3A_173 = tpu.memref_slice %arg11[%dma_start3A_171, %dma_start3A_172] : memref<2x80xi32, #tpu.memory_space<vmem>> -> memref<1x80xi32, #tpu.memory_space<vmem>>
        %dma_start3A_174 = tpu.memref_squeeze %dma_start3A_173 : memref<1x80xi32, #tpu.memory_space<vmem>> -> memref<80xi32, #tpu.memory_space<vmem>>
        %dma_start3A_175 = arith.constant 0 : i32
        %dma_start3A_176 = arith.constant 0 : i32
        %dma_start3A_177 = tpu.memref_slice %arg3[%dma_start3A_175, %dma_start3A_176] : memref<10240x128xf32, #tpu.memory_space<hbm>> -> memref<10240x128xf32, #tpu.memory_space<hbm>>
        tpu.enqueue_indirect_dma source(%dma_start3A_177 : memref<10240x128xf32, #tpu.memory_space<hbm>>) target(%arg12 : memref<80x128xf32, #tpu.memory_space<vmem>>) offsets(%dma_start3A_174 : memref<80xi32, #tpu.memory_space<vmem>>) semaphore(%arg17 : memref<!tpu.dma_semaphore, #tpu.memory_space<semaphore_mem>>)
        %mul3A_178 = arith.constant 125 : i32
        %mul3A_179 = arith.muli %add3A, %mul3A_178 : i32
        %add3A_180 = arith.addi %mul3A_179, %add3A_170 : i32
        %mul3A_181 = arith.constant 80 : i32
        %mul3A_182 = arith.muli %add3A_180, %mul3A_181 : i32
        %dma_start3A_183 = arith.constant 0 : i32
        %dma_start3A_184 = tpu.memref_slice %arg4[%mul3A_182, %dma_start3A_183] : memref<320000x64xf32, #tpu.memory_space<hbm>> -> memref<80x64xf32, #tpu.memory_space<hbm>>
        %dma_start3A_185 = arith.constant 0 : i32
        %dma_start3A_186 = tpu.memref_slice %arg4[%mul3A_182, %dma_start3A_185] : memref<320000x64xf32, #tpu.memory_space<hbm>> -> memref<80x64xf32, #tpu.memory_space<hbm>>
        tpu.enqueue_dma source(%dma_start3A_186 : memref<80x64xf32, #tpu.memory_space<hbm>>) target(%arg13 : memref<80x64xf32, #tpu.memory_space<vmem>>) target_semaphore(%arg18 : memref<!tpu.dma_semaphore, #tpu.memory_space<semaphore_mem>>)
      } else {
      }
      %scan3A_159 = arith.constant 0 : i32
      scf.yield %scan3A_159 : i32
    }
    %scan3A_42 = arith.constant 62 : i32
    %dma_wait3A = arith.constant 0 : i32
    %dma_wait3A_43 = arith.constant 0 : i32
    %dma_wait3A_44 = tpu.memref_slice %arg8[%dma_wait3A, %dma_wait3A_43] : memref<2x80xi32, #tpu.memory_space<vmem>> -> memref<1x80xi32, #tpu.memory_space<vmem>>
    %dma_wait3A_45 = tpu.memref_squeeze %dma_wait3A_44 : memref<1x80xi32, #tpu.memory_space<vmem>> -> memref<80xi32, #tpu.memory_space<vmem>>
    %dma_wait3A_46 = arith.constant 0 : i32
    %dma_wait3A_47 = arith.constant 0 : i32
    %dma_wait3A_48 = tpu.memref_slice %arg3[%dma_wait3A_46, %dma_wait3A_47] : memref<10240x128xf32, #tpu.memory_space<hbm>> -> memref<10240x128xf32, #tpu.memory_space<hbm>>
    tpu.wait_indirect_dma semaphore(%arg14 : memref<!tpu.dma_semaphore, #tpu.memory_space<semaphore_mem>>) src(%dma_wait3A_48 : memref<10240x128xf32, #tpu.memory_space<hbm>>) dst(%arg9 : memref<80x128xf32, #tpu.memory_space<vmem>>)
    %dma_wait3A_49 = arith.constant 0 : i32
    %dma_wait3A_50 = arith.constant 0 : i32
    %dma_wait3A_51 = tpu.memref_slice %arg4[%dma_wait3A_49, %dma_wait3A_50] : memref<320000x64xf32, #tpu.memory_space<hbm>> -> memref<80x64xf32, #tpu.memory_space<hbm>>
    %dma_wait3A_52 = arith.constant 0 : i32
    %dma_wait3A_53 = arith.constant 0 : i32
    %dma_wait3A_54 = tpu.memref_slice %arg4[%dma_wait3A_52, %dma_wait3A_53] : memref<320000x64xf32, #tpu.memory_space<hbm>> -> memref<80x64xf32, #tpu.memory_space<hbm>>
    tpu.wait_dma2 semaphore(%arg15 : memref<!tpu.dma_semaphore, #tpu.memory_space<semaphore_mem>>) src(%dma_wait3A_54 : memref<80x64xf32, #tpu.memory_space<hbm>>) dst(%arg10 : memref<80x64xf32, #tpu.memory_space<vmem>>)
    %scan3A_55 = arith.constant 0 : i32
    %scan3A_56 = arith.constant 0 : i32
    %scan3A_57 = arith.constant 80 : i32
    %scan3A_58 = arith.addi %scan3A_56, %scan3A_57 : i32
    %scan3A_59 = arith.constant 1 : i32
    %scan3A_60 = scf.for %scan3A_88 = %scan3A_56 to %scan3A_58 step %scan3A_59 iter_args(%scan3A_89 = %scan3A_55) -> (i32)  : i32 {
      %get3A = arith.index_cast %scan3A_88 : i32 to index
      %get3A_90 = arith.constant 64 : index
      %get3A_91 = tpu.vector_load %arg9[%get3A, %get3A_90] {strides = array<i32>} : memref<80x128xf32, #tpu.memory_space<vmem>>, vector<1x16xf32>,
      %get3A_92 = vector.shape_cast %get3A_91 : vector<1x16xf32> to vector<16xf32>
      %get3A_93 = arith.index_cast %scan3A_88 : i32 to index
      %get3A_94 = arith.constant 0 : index
      %get3A_95 = tpu.vector_load %arg9[%get3A_93, %get3A_94] {strides = array<i32>} : memref<80x128xf32, #tpu.memory_space<vmem>>, vector<1x16xf32>,
      %get3A_96 = vector.shape_cast %get3A_95 : vector<1x16xf32> to vector<16xf32>
      %get3A_97 = arith.index_cast %scan3A_88 : i32 to index
      %get3A_98 = arith.constant 0 : index
      %get3A_99 = tpu.vector_load %arg10[%get3A_97, %get3A_98] {strides = array<i32>} : memref<80x64xf32, #tpu.memory_space<vmem>>, vector<1x16xf32>,
      %get3A_100 = vector.shape_cast %get3A_99 : vector<1x16xf32> to vector<16xf32>
      %mul3A_101 = arith.mulf %get3A_92, %get3A_100 : vector<16xf32>
      %add3A_102 = arith.addf %get3A_96, %mul3A_101 : vector<16xf32>
      %swap3A = arith.index_cast %scan3A_88 : i32 to index
      %swap3A_103 = arith.constant 0 : index
      %swap3A_104 = tpu.vector_load %arg9[%swap3A, %swap3A_103] {strides = array<i32>} : memref<80x128xf32, #tpu.memory_space<vmem>>, vector<1x16xf32>,
      %swap3A_105 = vector.shape_cast %swap3A_104 : vector<1x16xf32> to vector<16xf32>
      %swap3A_106 = vector.shape_cast %add3A_102 : vector<16xf32> to vector<1x16xf32>
      tpu.vector_store %arg9[%swap3A, %swap3A_103], %swap3A_106 {strides = array<i32>} : memref<80x128xf32, #tpu.memory_space<vmem>>, vector<1x16xf32>,
      %get3A_107 = arith.index_cast %scan3A_88 : i32 to index
      %get3A_108 = arith.constant 16 : index
      %get3A_109 = tpu.vector_load %arg9[%get3A_107, %get3A_108] {strides = array<i32>} : memref<80x128xf32, #tpu.memory_space<vmem>>, vector<1x16xf32>,
      %get3A_110 = vector.shape_cast %get3A_109 : vector<1x16xf32> to vector<16xf32>
      %get3A_111 = arith.index_cast %scan3A_88 : i32 to index
      %get3A_112 = arith.constant 16 : index
      %get3A_113 = tpu.vector_load %arg10[%get3A_111, %get3A_112] {strides = array<i32>} : memref<80x64xf32, #tpu.memory_space<vmem>>, vector<1x16xf32>,
      %get3A_114 = vector.shape_cast %get3A_113 : vector<1x16xf32> to vector<16xf32>
      %mul3A_115 = arith.mulf %get3A_92, %get3A_114 : vector<16xf32>
      %add3A_116 = arith.addf %get3A_110, %mul3A_115 : vector<16xf32>
      %swap3A_117 = arith.index_cast %scan3A_88 : i32 to index
      %swap3A_118 = arith.constant 16 : index
      %swap3A_119 = tpu.vector_load %arg9[%swap3A_117, %swap3A_118] {strides = array<i32>} : memref<80x128xf32, #tpu.memory_space<vmem>>, vector<1x16xf32>,
      %swap3A_120 = vector.shape_cast %swap3A_119 : vector<1x16xf32> to vector<16xf32>
      %swap3A_121 = vector.shape_cast %add3A_116 : vector<16xf32> to vector<1x16xf32>
      tpu.vector_store %arg9[%swap3A_117, %swap3A_118], %swap3A_121 {strides = array<i32>} : memref<80x128xf32, #tpu.memory_space<vmem>>, vector<1x16xf32>,
      %get3A_122 = arith.index_cast %scan3A_88 : i32 to index
      %get3A_123 = arith.constant 32 : index
      %get3A_124 = tpu.vector_load %arg9[%get3A_122, %get3A_123] {strides = array<i32>} : memref<80x128xf32, #tpu.memory_space<vmem>>, vector<1x16xf32>,
      %get3A_125 = vector.shape_cast %get3A_124 : vector<1x16xf32> to vector<16xf32>
      %get3A_126 = arith.index_cast %scan3A_88 : i32 to index
      %get3A_127 = arith.constant 32 : index
      %get3A_128 = tpu.vector_load %arg10[%get3A_126, %get3A_127] {strides = array<i32>} : memref<80x64xf32, #tpu.memory_space<vmem>>, vector<1x16xf32>,
      %get3A_129 = vector.shape_cast %get3A_128 : vector<1x16xf32> to vector<16xf32>
      %mul3A_130 = arith.mulf %get3A_92, %get3A_129 : vector<16xf32>
      %add3A_131 = arith.addf %get3A_125, %mul3A_130 : vector<16xf32>
      %swap3A_132 = arith.index_cast %scan3A_88 : i32 to index
      %swap3A_133 = arith.constant 32 : index
      %swap3A_134 = tpu.vector_load %arg9[%swap3A_132, %swap3A_133] {strides = array<i32>} : memref<80x128xf32, #tpu.memory_space<vmem>>, vector<1x16xf32>,
      %swap3A_135 = vector.shape_cast %swap3A_134 : vector<1x16xf32> to vector<16xf32>
      %swap3A_136 = vector.shape_cast %add3A_131 : vector<16xf32> to vector<1x16xf32>
      tpu.vector_store %arg9[%swap3A_132, %swap3A_133], %swap3A_136 {strides = array<i32>} : memref<80x128xf32, #tpu.memory_space<vmem>>, vector<1x16xf32>,
      %get3A_137 = arith.index_cast %scan3A_88 : i32 to index
      %get3A_138 = arith.constant 48 : index
      %get3A_139 = tpu.vector_load %arg9[%get3A_137, %get3A_138] {strides = array<i32>} : memref<80x128xf32, #tpu.memory_space<vmem>>, vector<1x16xf32>,
      %get3A_140 = vector.shape_cast %get3A_139 : vector<1x16xf32> to vector<16xf32>
      %get3A_141 = arith.index_cast %scan3A_88 : i32 to index
      %get3A_142 = arith.constant 48 : index
      %get3A_143 = tpu.vector_load %arg10[%get3A_141, %get3A_142] {strides = array<i32>} : memref<80x64xf32, #tpu.memory_space<vmem>>, vector<1x16xf32>,
      %get3A_144 = vector.shape_cast %get3A_143 : vector<1x16xf32> to vector<16xf32>
      %mul3A_145 = arith.mulf %get3A_92, %get3A_144 : vector<16xf32>
      %add3A_146 = arith.addf %get3A_140, %mul3A_145 : vector<16xf32>
      %swap3A_147 = arith.index_cast %scan3A_88 : i32 to index
      %swap3A_148 = arith.constant 48 : index
      %swap3A_149 = tpu.vector_load %arg9[%swap3A_147, %swap3A_148] {strides = array<i32>} : memref<80x128xf32, #tpu.memory_space<vmem>>, vector<1x16xf32>,
      %swap3A_150 = vector.shape_cast %swap3A_149 : vector<1x16xf32> to vector<16xf32>
      %swap3A_151 = vector.shape_cast %add3A_146 : vector<16xf32> to vector<1x16xf32>
      tpu.vector_store %arg9[%swap3A_147, %swap3A_148], %swap3A_151 {strides = array<i32>} : memref<80x128xf32, #tpu.memory_space<vmem>>, vector<1x16xf32>,
      %scan3A_152 = arith.constant 0 : i32
      scf.yield %scan3A_152 : i32
    }
    %scan3A_61 = arith.constant 80 : i32
    %dma_start3A_62 = arith.constant 1 : i32
    %dma_start3A_63 = arith.constant 0 : i32
    %dma_start3A_64 = tpu.memref_slice %arg8[%dma_start3A_62, %dma_start3A_63] : memref<2x80xi32, #tpu.memory_space<vmem>> -> memref<1x80xi32, #tpu.memory_space<vmem>>
    %dma_start3A_65 = tpu.memref_squeeze %dma_start3A_64 : memref<1x80xi32, #tpu.memory_space<vmem>> -> memref<80xi32, #tpu.memory_space<vmem>>
    %dma_start3A_66 = arith.constant 0 : i32
    %dma_start3A_67 = arith.constant 0 : i32
    %dma_start3A_68 = tpu.memref_slice %arg7[%dma_start3A_66, %dma_start3A_67] : memref<10240x128xf32, #tpu.memory_space<vmem_shared>> -> memref<10240x128xf32, #tpu.memory_space<vmem_shared>>
    tpu.enqueue_indirect_dma source(%arg9 : memref<80x128xf32, #tpu.memory_space<vmem>>) target(%dma_start3A_68 : memref<10240x128xf32, #tpu.memory_space<vmem_shared>>) offsets(%dma_start3A_65 : memref<80xi32, #tpu.memory_space<vmem>>) semaphore(%arg16 : memref<!tpu.dma_semaphore, #tpu.memory_space<semaphore_mem>>) {add = true}
    %dma_wait3A_69 = arith.constant 1 : i32
    %dma_wait3A_70 = arith.constant 0 : i32
    %dma_wait3A_71 = tpu.memref_slice %arg8[%dma_wait3A_69, %dma_wait3A_70] : memref<2x80xi32, #tpu.memory_space<vmem>> -> memref<1x80xi32, #tpu.memory_space<vmem>>
    %dma_wait3A_72 = tpu.memref_squeeze %dma_wait3A_71 : memref<1x80xi32, #tpu.memory_space<vmem>> -> memref<80xi32, #tpu.memory_space<vmem>>
    %dma_wait3A_73 = arith.constant 0 : i32
    %dma_wait3A_74 = arith.constant 0 : i32
    %dma_wait3A_75 = tpu.memref_slice %arg7[%dma_wait3A_73, %dma_wait3A_74] : memref<10240x128xf32, #tpu.memory_space<vmem_shared>> -> memref<10240x128xf32, #tpu.memory_space<vmem_shared>>
    tpu.wait_indirect_dma semaphore(%arg16 : memref<!tpu.dma_semaphore, #tpu.memory_space<semaphore_mem>>) src(%arg9 : memref<80x128xf32, #tpu.memory_space<vmem>>) dst(%dma_wait3A_75 : memref<10240x128xf32, #tpu.memory_space<vmem_shared>>)
    %dma_wait3A_76 = arith.constant 1 : i32
    %dma_wait3A_77 = arith.constant 0 : i32
    %dma_wait3A_78 = tpu.memref_slice %arg11[%dma_wait3A_76, %dma_wait3A_77] : memref<2x80xi32, #tpu.memory_space<vmem>> -> memref<1x80xi32, #tpu.memory_space<vmem>>
    %dma_wait3A_79 = tpu.memref_squeeze %dma_wait3A_78 : memref<1x80xi32, #tpu.memory_space<vmem>> -> memref<80xi32, #tpu.memory_space<vmem>>
    %dma_wait3A_80 = arith.constant 0 : i32
    %dma_wait3A_81 = arith.constant 0 : i32
    %dma_wait3A_82 = tpu.memref_slice %arg7[%dma_wait3A_80, %dma_wait3A_81] : memref<10240x128xf32, #tpu.memory_space<vmem_shared>> -> memref<10240x128xf32, #tpu.memory_space<vmem_shared>>
    tpu.wait_indirect_dma semaphore(%arg19 : memref<!tpu.dma_semaphore, #tpu.memory_space<semaphore_mem>>) src(%arg12 : memref<80x128xf32, #tpu.memory_space<vmem>>) dst(%dma_wait3A_82 : memref<10240x128xf32, #tpu.memory_space<vmem_shared>>)
    %barrier3A_83 = arith.constant 0 : index
    tpu.barrier barrier_id(%barrier3A_83)
    %mul3A_84 = arith.constant 640 : i32
    %mul3A_85 = arith.muli %arg1, %mul3A_84 : i32
    %mul3A_86 = arith.constant 640 : i32
    %mul3A_87 = arith.muli %arg1, %mul3A_86 : i32
    "tpu.region"() ({
      %run_scoped3A_88 = tpu.sem_alloc : memref<!tpu.dma_semaphore, #tpu.memory_space<semaphore_mem>>
      %dma_start3A_89 = arith.constant 0 : i32
      %dma_start3A_90 = tpu.memref_slice %arg6[%arg0, %mul3A_87, %dma_start3A_89] : memref<2x10240x128xf32, #tpu.memory_space<hbm>> -> memref<1x640x128xf32, #tpu.memory_space<hbm>>
      %dma_start3A_91 = tpu.memref_squeeze %dma_start3A_90 : memref<1x640x128xf32, #tpu.memory_space<hbm>> -> memref<640x128xf32, #tpu.memory_space<hbm>>
      %dma_start3A_92 = arith.constant 0 : i32
      %dma_start3A_93 = tpu.memref_slice %arg7[%mul3A_85, %dma_start3A_92] : memref<10240x128xf32, #tpu.memory_space<vmem_shared>> -> memref<640x128xf32, #tpu.memory_space<vmem_shared>>
      tpu.enqueue_dma source(%dma_start3A_93 : memref<640x128xf32, #tpu.memory_space<vmem_shared>>) target(%dma_start3A_91 : memref<640x128xf32, #tpu.memory_space<hbm>>) target_semaphore(%run_scoped3A_88 : memref<!tpu.dma_semaphore, #tpu.memory_space<semaphore_mem>>)
      %dma_wait3A_94 = arith.constant 0 : i32
      %dma_wait3A_95 = tpu.memref_slice %arg6[%arg0, %mul3A_87, %dma_wait3A_94] : memref<2x10240x128xf32, #tpu.memory_space<hbm>> -> memref<1x640x128xf32, #tpu.memory_space<hbm>>
      %dma_wait3A_96 = tpu.memref_squeeze %dma_wait3A_95 : memref<1x640x128xf32, #tpu.memory_space<hbm>> -> memref<640x128xf32, #tpu.memory_space<hbm>>
      %dma_wait3A_97 = arith.constant 0 : i32
      %dma_wait3A_98 = tpu.memref_slice %arg7[%mul3A_85, %dma_wait3A_97] : memref<10240x128xf32, #tpu.memory_space<vmem_shared>> -> memref<640x128xf32, #tpu.memory_space<vmem_shared>>
      tpu.wait_dma2 semaphore(%run_scoped3A_88 : memref<!tpu.dma_semaphore, #tpu.memory_space<semaphore_mem>>) src(%dma_wait3A_98 : memref<640x128xf32, #tpu.memory_space<vmem_shared>>) dst(%dma_wait3A_96 : memref<640x128xf32, #tpu.memory_space<hbm>>)
      tpu.yield
    }) : () -> ()
    return
  }
}

#map = affine_map<(d0, d1) -> (0, 0, 0)>
#map1 = affine_map<(d0, d1) -> (0)>
#map2 = affine_map<(d0, d1) -> (0, 0)>
module attributes {stable_mosaic.version = 14 : i64} {
  func.func @_deg_body(%arg0: i32, %arg1: i32, %arg2: memref<32x125x80xi32, #tpu.memory_space<hbm>>, %arg3: memref<80xf32, #tpu.memory_space<hbm>>, %arg4: memref<640xf32, #tpu.memory_space<hbm>>, %arg5: memref<2x10240xf32, #tpu.memory_space<hbm>>, %arg6: memref<10240xf32, #tpu.memory_space<vmem_shared>>, %arg7: memref<125x80xi32, #tpu.memory_space<vmem>>, %arg8: memref<80xf32, #tpu.memory_space<vmem>>, %arg9: memref<!tpu.dma_semaphore, #tpu.memory_space<semaphore_mem>>) attributes {dimension_semantics = [#tpu.dimension_semantics<core_parallel>, #tpu.dimension_semantics<subcore_parallel>], iteration_bounds = array<i64: 2, 16>, scalar_prefetch = 0 : i64, scratch_operands = 4 : i64, tpu.core_type = #tpu.core_type<sc_vector_subcore>, window_params = [{transform_indices = #map}, {transform_indices = #map1}, {transform_indices = #map1}, {transform_indices = #map2}]} {
    %mul3A = arith.constant 640 : i32
    %mul3A_0 = arith.muli %arg1, %mul3A : i32
    "tpu.region"() ({
      %run_scoped3A = tpu.sem_alloc : memref<!tpu.dma_semaphore, #tpu.memory_space<semaphore_mem>>
      %dma_start3A = tpu.memref_slice %arg6[%mul3A_0] : memref<10240xf32, #tpu.memory_space<vmem_shared>> -> memref<640xf32, #tpu.memory_space<vmem_shared>>
      tpu.enqueue_dma source(%arg4 : memref<640xf32, #tpu.memory_space<hbm>>) target(%dma_start3A : memref<640xf32, #tpu.memory_space<vmem_shared>>) target_semaphore(%run_scoped3A : memref<!tpu.dma_semaphore, #tpu.memory_space<semaphore_mem>>)
      %dma_wait3A = tpu.memref_slice %arg6[%mul3A_0] : memref<10240xf32, #tpu.memory_space<vmem_shared>> -> memref<640xf32, #tpu.memory_space<vmem_shared>>
      tpu.wait_dma2 semaphore(%run_scoped3A : memref<!tpu.dma_semaphore, #tpu.memory_space<semaphore_mem>>) src(%arg4 : memref<640xf32, #tpu.memory_space<hbm>>) dst(%dma_wait3A : memref<640xf32, #tpu.memory_space<vmem_shared>>)
      tpu.yield
    }) : () -> ()
    "tpu.region"() ({
      %run_scoped3A = tpu.sem_alloc : memref<!tpu.dma_semaphore, #tpu.memory_space<semaphore_mem>>
      tpu.enqueue_dma source(%arg3 : memref<80xf32, #tpu.memory_space<hbm>>) target(%arg8 : memref<80xf32, #tpu.memory_space<vmem>>) target_semaphore(%run_scoped3A : memref<!tpu.dma_semaphore, #tpu.memory_space<semaphore_mem>>)
      tpu.wait_dma2 semaphore(%run_scoped3A : memref<!tpu.dma_semaphore, #tpu.memory_space<semaphore_mem>>) src(%arg3 : memref<80xf32, #tpu.memory_space<hbm>>) dst(%arg8 : memref<80xf32, #tpu.memory_space<vmem>>)
      tpu.yield
    }) : () -> ()
    %mul3A_1 = arith.constant 16 : i32
    %mul3A_2 = arith.muli %arg0, %mul3A_1 : i32
    %add3A = arith.addi %mul3A_2, %arg1 : i32
    "tpu.region"() ({
      %run_scoped3A = tpu.sem_alloc : memref<!tpu.dma_semaphore, #tpu.memory_space<semaphore_mem>>
      %dma_start3A = arith.constant 0 : i32
      %dma_start3A_21 = arith.constant 0 : i32
      %dma_start3A_22 = tpu.memref_slice %arg2[%add3A, %dma_start3A, %dma_start3A_21] : memref<32x125x80xi32, #tpu.memory_space<hbm>> -> memref<1x125x80xi32, #tpu.memory_space<hbm>>
      %dma_start3A_23 = tpu.memref_squeeze %dma_start3A_22 : memref<1x125x80xi32, #tpu.memory_space<hbm>> -> memref<125x80xi32, #tpu.memory_space<hbm>>
      %dma_start3A_24 = arith.constant 0 : i32
      %dma_start3A_25 = arith.constant 0 : i32
      %dma_start3A_26 = tpu.memref_slice %arg2[%add3A, %dma_start3A_24, %dma_start3A_25] : memref<32x125x80xi32, #tpu.memory_space<hbm>> -> memref<1x125x80xi32, #tpu.memory_space<hbm>>
      %dma_start3A_27 = tpu.memref_squeeze %dma_start3A_26 : memref<1x125x80xi32, #tpu.memory_space<hbm>> -> memref<125x80xi32, #tpu.memory_space<hbm>>
      tpu.enqueue_dma source(%dma_start3A_27 : memref<125x80xi32, #tpu.memory_space<hbm>>) target(%arg7 : memref<125x80xi32, #tpu.memory_space<vmem>>) target_semaphore(%run_scoped3A : memref<!tpu.dma_semaphore, #tpu.memory_space<semaphore_mem>>)
      %dma_wait3A = arith.constant 0 : i32
      %dma_wait3A_28 = arith.constant 0 : i32
      %dma_wait3A_29 = tpu.memref_slice %arg2[%add3A, %dma_wait3A, %dma_wait3A_28] : memref<32x125x80xi32, #tpu.memory_space<hbm>> -> memref<1x125x80xi32, #tpu.memory_space<hbm>>
      %dma_wait3A_30 = tpu.memref_squeeze %dma_wait3A_29 : memref<1x125x80xi32, #tpu.memory_space<hbm>> -> memref<125x80xi32, #tpu.memory_space<hbm>>
      %dma_wait3A_31 = arith.constant 0 : i32
      %dma_wait3A_32 = arith.constant 0 : i32
      %dma_wait3A_33 = tpu.memref_slice %arg2[%add3A, %dma_wait3A_31, %dma_wait3A_32] : memref<32x125x80xi32, #tpu.memory_space<hbm>> -> memref<1x125x80xi32, #tpu.memory_space<hbm>>
      %dma_wait3A_34 = tpu.memref_squeeze %dma_wait3A_33 : memref<1x125x80xi32, #tpu.memory_space<hbm>> -> memref<125x80xi32, #tpu.memory_space<hbm>>
      tpu.wait_dma2 semaphore(%run_scoped3A : memref<!tpu.dma_semaphore, #tpu.memory_space<semaphore_mem>>) src(%dma_wait3A_34 : memref<125x80xi32, #tpu.memory_space<hbm>>) dst(%arg7 : memref<125x80xi32, #tpu.memory_space<vmem>>)
      tpu.yield
    }) : () -> ()
    %barrier3A = arith.constant 0 : index
    tpu.barrier barrier_id(%barrier3A)
    %scan3A = arith.constant 0 : i32
    %scan3A_3 = arith.constant 0 : i32
    %scan3A_4 = arith.constant 125 : i32
    %scan3A_5 = arith.addi %scan3A_3, %scan3A_4 : i32
    %scan3A_6 = arith.constant 1 : i32
    %scan3A_7 = scf.for %scan3A_21 = %scan3A_3 to %scan3A_5 step %scan3A_6 iter_args(%scan3A_22 = %scan3A) -> (i32)  : i32 {
      %dma_start3A = arith.constant 0 : i32
      %dma_start3A_23 = tpu.memref_slice %arg7[%scan3A_21, %dma_start3A] : memref<125x80xi32, #tpu.memory_space<vmem>> -> memref<1x80xi32, #tpu.memory_space<vmem>>
      %dma_start3A_24 = tpu.memref_squeeze %dma_start3A_23 : memref<1x80xi32, #tpu.memory_space<vmem>> -> memref<80xi32, #tpu.memory_space<vmem>>
      %dma_start3A_25 = arith.constant 0 : i32
      %dma_start3A_26 = tpu.memref_slice %arg6[%dma_start3A_25] : memref<10240xf32, #tpu.memory_space<vmem_shared>> -> memref<10240xf32, #tpu.memory_space<vmem_shared>>
      tpu.enqueue_indirect_dma source(%arg8 : memref<80xf32, #tpu.memory_space<vmem>>) target(%dma_start3A_26 : memref<10240xf32, #tpu.memory_space<vmem_shared>>) offsets(%dma_start3A_24 : memref<80xi32, #tpu.memory_space<vmem>>) semaphore(%arg9 : memref<!tpu.dma_semaphore, #tpu.memory_space<semaphore_mem>>) {add = true}
      %scan3A_27 = arith.constant 0 : i32
      scf.yield %scan3A_27 : i32
    }
    %scan3A_8 = arith.constant 125 : i32
    %scan3A_9 = arith.constant 0 : i32
    %scan3A_10 = arith.constant 0 : i32
    %scan3A_11 = arith.constant 125 : i32
    %scan3A_12 = arith.addi %scan3A_10, %scan3A_11 : i32
    %scan3A_13 = arith.constant 1 : i32
    %scan3A_14 = scf.for %scan3A_21 = %scan3A_10 to %scan3A_12 step %scan3A_13 iter_args(%scan3A_22 = %scan3A_9) -> (i32)  : i32 {
      %dma_wait3A = arith.constant 0 : i32
      %dma_wait3A_23 = arith.constant 0 : i32
      %dma_wait3A_24 = tpu.memref_slice %arg7[%dma_wait3A, %dma_wait3A_23] : memref<125x80xi32, #tpu.memory_space<vmem>> -> memref<1x80xi32, #tpu.memory_space<vmem>>
      %dma_wait3A_25 = tpu.memref_squeeze %dma_wait3A_24 : memref<1x80xi32, #tpu.memory_space<vmem>> -> memref<80xi32, #tpu.memory_space<vmem>>
      %dma_wait3A_26 = arith.constant 0 : i32
      %dma_wait3A_27 = tpu.memref_slice %arg6[%dma_wait3A_26] : memref<10240xf32, #tpu.memory_space<vmem_shared>> -> memref<10240xf32, #tpu.memory_space<vmem_shared>>
      tpu.wait_indirect_dma semaphore(%arg9 : memref<!tpu.dma_semaphore, #tpu.memory_space<semaphore_mem>>) src(%arg8 : memref<80xf32, #tpu.memory_space<vmem>>) dst(%dma_wait3A_27 : memref<10240xf32, #tpu.memory_space<vmem_shared>>)
      %scan3A_28 = arith.constant 0 : i32
      scf.yield %scan3A_28 : i32
    }
    %scan3A_15 = arith.constant 125 : i32
    %barrier3A_16 = arith.constant 0 : index
    tpu.barrier barrier_id(%barrier3A_16)
    %mul3A_17 = arith.constant 640 : i32
    %mul3A_18 = arith.muli %arg1, %mul3A_17 : i32
    %mul3A_19 = arith.constant 640 : i32
    %mul3A_20 = arith.muli %arg1, %mul3A_19 : i32
    "tpu.region"() ({
      %run_scoped3A = tpu.sem_alloc : memref<!tpu.dma_semaphore, #tpu.memory_space<semaphore_mem>>
      %dma_start3A = tpu.memref_slice %arg5[%arg0, %mul3A_20] : memref<2x10240xf32, #tpu.memory_space<hbm>> -> memref<1x640xf32, #tpu.memory_space<hbm>>
      %dma_start3A_21 = tpu.memref_squeeze %dma_start3A : memref<1x640xf32, #tpu.memory_space<hbm>> -> memref<640xf32, #tpu.memory_space<hbm>>
      %dma_start3A_22 = tpu.memref_slice %arg6[%mul3A_18] : memref<10240xf32, #tpu.memory_space<vmem_shared>> -> memref<640xf32, #tpu.memory_space<vmem_shared>>
      tpu.enqueue_dma source(%dma_start3A_22 : memref<640xf32, #tpu.memory_space<vmem_shared>>) target(%dma_start3A_21 : memref<640xf32, #tpu.memory_space<hbm>>) target_semaphore(%run_scoped3A : memref<!tpu.dma_semaphore, #tpu.memory_space<semaphore_mem>>)
      %dma_wait3A = tpu.memref_slice %arg5[%arg0, %mul3A_20] : memref<2x10240xf32, #tpu.memory_space<hbm>> -> memref<1x640xf32, #tpu.memory_space<hbm>>
      %dma_wait3A_23 = tpu.memref_squeeze %dma_wait3A : memref<1x640xf32, #tpu.memory_space<hbm>> -> memref<640xf32, #tpu.memory_space<hbm>>
      %dma_wait3A_24 = tpu.memref_slice %arg6[%mul3A_18] : memref<10240xf32, #tpu.memory_space<vmem_shared>> -> memref<640xf32, #tpu.memory_space<vmem_shared>>
      tpu.wait_dma2 semaphore(%run_scoped3A : memref<!tpu.dma_semaphore, #tpu.memory_space<semaphore_mem>>) src(%dma_wait3A_24 : memref<640xf32, #tpu.memory_space<vmem_shared>>) dst(%dma_wait3A_23 : memref<640xf32, #tpu.memory_space<hbm>>)
      tpu.yield
    }) : () -> ()
    return
  }
}

module attributes {stable_mosaic.version = 14 : i64} {
  func.func @_edge_mm_body(%arg0: i32, %arg1: memref<2000x16xf32, #tpu.memory_space<vmem>>, %arg2: memref<16x64xf32, #tpu.memory_space<vmem>>, %arg3: memref<2000x64xf32, #tpu.memory_space<vmem>>) attributes {dimension_semantics = [#tpu.dimension_semantics<arbitrary>], iteration_bounds = array<i64: 160>, scalar_prefetch = 0 : i64, scratch_operands = 0 : i64, tpu.core_type = #tpu.core_type<tc>, window_params = [{transform_indices = @transform_0, window_bounds = array<i64: 2000, 16>}, {pipeline_mode = #tpu.pipeline_mode<synchronous>, transform_indices = @transform_1, window_bounds = array<i64: 16, 64>}, {transform_indices = @transform_2, window_bounds = array<i64: 2000, 64>}]} {
    %get3A = arith.constant 0 : index
    %get3A_0 = arith.constant 0 : index
    %get3A_1 = vector.load %arg1[%get3A, %get3A_0] : memref<2000x16xf32, #tpu.memory_space<vmem>>, vector<2000x16xf32>
    %get3A_2 = arith.constant 0 : index
    %get3A_3 = arith.constant 0 : index
    %get3A_4 = vector.load %arg2[%get3A_2, %get3A_3] : memref<16x64xf32, #tpu.memory_space<vmem>>, vector<16x64xf32>
    %dot_general3A = arith.constant dense<0.000000e+00> : vector<2000x64xf32>
    %dot_general3A_5 = tpu.matmul %get3A_1, %get3A_4, %dot_general3A {dimension_numbers = #tpu.dot_dimension_numbers<[1], [0], [0], [1], [0, 0, 1, 1], [], []>, transpose_lhs_hint = false} : vector<2000x16xf32>, vector<16x64xf32>, vector<2000x64xf32> -> vector<2000x64xf32>
    %swap3A = arith.constant 0 : index
    %swap3A_6 = arith.constant 0 : index
    %swap3A_7 = vector.load %arg3[%swap3A, %swap3A_6] : memref<2000x64xf32, #tpu.memory_space<vmem>>, vector<2000x64xf32>
    tpu.vector_store %arg3[%swap3A, %swap3A_6], %dot_general3A_5 {strides = array<i32>} : memref<2000x64xf32, #tpu.memory_space<vmem>>, vector<2000x64xf32>,
    return
  }
  func.func @transform_0(%arg0: i32) -> (i32, i32) {
    %c0_i32 = arith.constant 0 : i32
    %c0_i32_0 = arith.constant 0 : i32
    return %arg0, %c0_i32 : i32, i32
  }
  func.func @transform_1(%arg0: i32) -> (i32, i32) {
    %c0_i32 = arith.constant 0 : i32
    %c0_i32_0 = arith.constant 0 : i32
    %c0_i32_1 = arith.constant 0 : i32
    return %c0_i32, %c0_i32_0 : i32, i32
  }
  func.func @transform_2(%arg0: i32) -> (i32, i32) {
    %c0_i32 = arith.constant 0 : i32
    %c0_i32_0 = arith.constant 0 : i32
    return %arg0, %c0_i32 : i32, i32
  }
}

module attributes {stable_mosaic.version = 14 : i64} {
  func.func @_prep_body(%arg0: i32, %arg1: memref<512x1xf32, #tpu.memory_space<vmem>>, %arg2: memref<512x1xf32, #tpu.memory_space<vmem>>, %arg3: memref<512x128xf32, #tpu.memory_space<vmem>>, %arg4: memref<128x64xf32, #tpu.memory_space<vmem>>, %arg5: memref<512x128xf32, #tpu.memory_space<vmem>>) attributes {dimension_semantics = [#tpu.dimension_semantics<arbitrary>], iteration_bounds = array<i64: 20>, scalar_prefetch = 0 : i64, scratch_operands = 0 : i64, tpu.core_type = #tpu.core_type<tc>, window_params = [{transform_indices = @transform_0, window_bounds = array<i64: 512, 1>}, {transform_indices = @transform_1, window_bounds = array<i64: 512, 1>}, {transform_indices = @transform_2, window_bounds = array<i64: 512, 128>}, {pipeline_mode = #tpu.pipeline_mode<synchronous>, transform_indices = @transform_3, window_bounds = array<i64: 128, 64>}, {transform_indices = @transform_4, window_bounds = array<i64: 512, 128>}]} {
    %get3A = arith.constant 0 : index
    %get3A_0 = arith.constant 0 : index
    %get3A_1 = vector.load %arg1[%get3A, %get3A_0] : memref<512x1xf32, #tpu.memory_space<vmem>>, vector<512x1xf32>
    %get3A_2 = arith.constant 0 : index
    %get3A_3 = arith.constant 0 : index
    %get3A_4 = vector.load %arg2[%get3A_2, %get3A_3] : memref<512x1xf32, #tpu.memory_space<vmem>>, vector<512x1xf32>
    %add3A = arith.addf %get3A_1, %get3A_4 : vector<512x1xf32>
    %add3A_5 = arith.constant 1.000000e+00 : f32
    %add3A_6 = vector.broadcast %add3A_5 : f32 to vector<512x1xf32>
    %add3A_7 = arith.addf %add3A, %add3A_6 : vector<512x1xf32>
    %pow3A = arith.constant -5.000000e-01 : f32
    %pow3A_8 = vector.broadcast %pow3A : f32 to vector<512x1xf32>
    %pow3A_9 = math.powf %add3A_7, %pow3A_8 : vector<512x1xf32>
    %get3A_10 = arith.constant 0 : index
    %get3A_11 = arith.constant 0 : index
    %get3A_12 = vector.load %arg3[%get3A_10, %get3A_11] : memref<512x128xf32, #tpu.memory_space<vmem>>, vector<512x128xf32>
    %get3A_13 = arith.constant 0 : index
    %get3A_14 = arith.constant 0 : index
    %get3A_15 = vector.load %arg4[%get3A_13, %get3A_14] : memref<128x64xf32, #tpu.memory_space<vmem>>, vector<128x64xf32>
    %dot_general3A = arith.constant dense<0.000000e+00> : vector<512x64xf32>
    %dot_general3A_16 = tpu.matmul %get3A_12, %get3A_15, %dot_general3A {dimension_numbers = #tpu.dot_dimension_numbers<[1], [0], [0], [1], [0, 0, 1, 1], [], []>, transpose_lhs_hint = false} : vector<512x128xf32>, vector<128x64xf32>, vector<512x64xf32> -> vector<512x64xf32>
    %mul3A = vector.broadcast %pow3A_9 : vector<512x1xf32> to vector<512x64xf32>
    %mul3A_17 = arith.mulf %mul3A, %dot_general3A_16 : vector<512x64xf32>
    %broadcast_in_dim3A = vector.shape_cast %pow3A_9 : vector<512x1xf32> to vector<512x1xf32>
    %broadcast_in_dim3A_18 = vector.broadcast %broadcast_in_dim3A : vector<512x1xf32> to vector<512x64xf32>
    %concatenate3A = tpu.concatenate %mul3A_17, %broadcast_in_dim3A_18 in 1 : vector<512x64xf32>, vector<512x64xf32> -> vector<512x128xf32>
    %swap3A = arith.constant 0 : index
    %swap3A_19 = arith.constant 0 : index
    %swap3A_20 = vector.load %arg5[%swap3A, %swap3A_19] : memref<512x128xf32, #tpu.memory_space<vmem>>, vector<512x128xf32>
    tpu.vector_store %arg5[%swap3A, %swap3A_19], %concatenate3A {strides = array<i32>} : memref<512x128xf32, #tpu.memory_space<vmem>>, vector<512x128xf32>,
    return
  }
  func.func @transform_0(%arg0: i32) -> (i32, i32) {
    %c0_i32 = arith.constant 0 : i32
    %c0_i32_0 = arith.constant 0 : i32
    return %arg0, %c0_i32 : i32, i32
  }
  func.func @transform_1(%arg0: i32) -> (i32, i32) {
    %c0_i32 = arith.constant 0 : i32
    %c0_i32_0 = arith.constant 0 : i32
    return %arg0, %c0_i32 : i32, i32
  }
  func.func @transform_2(%arg0: i32) -> (i32, i32) {
    %c0_i32 = arith.constant 0 : i32
    %c0_i32_0 = arith.constant 0 : i32
    return %arg0, %c0_i32 : i32, i32
  }
  func.func @transform_3(%arg0: i32) -> (i32, i32) {
    %c0_i32 = arith.constant 0 : i32
    %c0_i32_0 = arith.constant 0 : i32
    %c0_i32_1 = arith.constant 0 : i32
    return %c0_i32, %c0_i32_0 : i32, i32
  }
  func.func @transform_4(%arg0: i32) -> (i32, i32) {
    %c0_i32 = arith.constant 0 : i32
    %c0_i32_0 = arith.constant 0 : i32
    return %arg0, %c0_i32 : i32, i32
  }
}

module attributes {stable_mosaic.version = 14 : i64} {
  func.func @_final_body(%arg0: i32, %arg1: memref<512x128xf32, #tpu.memory_space<vmem>>, %arg2: memref<512x128xf32, #tpu.memory_space<vmem>>, %arg3: memref<512x128xf32, #tpu.memory_space<vmem>>, %arg4: memref<512x1xf32, #tpu.memory_space<vmem>>, %arg5: memref<512x1xf32, #tpu.memory_space<vmem>>, %arg6: memref<1x64xf32, #tpu.memory_space<vmem>>, %arg7: memref<512x64xf32, #tpu.memory_space<vmem>>) attributes {dimension_semantics = [#tpu.dimension_semantics<arbitrary>], iteration_bounds = array<i64: 20>, scalar_prefetch = 0 : i64, scratch_operands = 0 : i64, tpu.core_type = #tpu.core_type<tc>, window_params = [{transform_indices = @transform_0, window_bounds = array<i64: 512, 128>}, {transform_indices = @transform_1, window_bounds = array<i64: 512, 128>}, {transform_indices = @transform_2, window_bounds = array<i64: 512, 128>}, {transform_indices = @transform_3, window_bounds = array<i64: 512, 1>}, {transform_indices = @transform_4, window_bounds = array<i64: 512, 1>}, {pipeline_mode = #tpu.pipeline_mode<synchronous>, transform_indices = @transform_5, window_bounds = array<i64: 1, 64>}, {transform_indices = @transform_6, window_bounds = array<i64: 512, 64>}]} {
    %get3A = arith.constant 0 : index
    %get3A_0 = arith.constant 64 : index
    %get3A_1 = vector.load %arg3[%get3A, %get3A_0] : memref<512x128xf32, #tpu.memory_space<vmem>>, vector<512x1xf32>
    %get3A_2 = arith.constant 0 : index
    %get3A_3 = arith.constant 0 : index
    %get3A_4 = vector.load %arg3[%get3A_2, %get3A_3] : memref<512x128xf32, #tpu.memory_space<vmem>>, vector<512x64xf32>
    %get3A_5 = arith.constant 0 : index
    %get3A_6 = arith.constant 0 : index
    %get3A_7 = vector.load %arg1[%get3A_5, %get3A_6] : memref<512x128xf32, #tpu.memory_space<vmem>>, vector<512x64xf32>
    %get3A_8 = arith.constant 0 : index
    %get3A_9 = arith.constant 0 : index
    %get3A_10 = vector.load %arg2[%get3A_8, %get3A_9] : memref<512x128xf32, #tpu.memory_space<vmem>>, vector<512x64xf32>
    %add3A = arith.addf %get3A_7, %get3A_10 : vector<512x64xf32>
    %get3A_11 = arith.constant 0 : index
    %get3A_12 = arith.constant 0 : index
    %get3A_13 = vector.load %arg4[%get3A_11, %get3A_12] : memref<512x1xf32, #tpu.memory_space<vmem>>, vector<512x1xf32>
    %get3A_14 = arith.constant 0 : index
    %get3A_15 = arith.constant 0 : index
    %get3A_16 = vector.load %arg5[%get3A_14, %get3A_15] : memref<512x1xf32, #tpu.memory_space<vmem>>, vector<512x1xf32>
    %add3A_17 = arith.addf %get3A_13, %get3A_16 : vector<512x1xf32>
    %add3A_18 = arith.constant 1.000000e+00 : f32
    %add3A_19 = vector.broadcast %add3A_18 : f32 to vector<512x1xf32>
    %add3A_20 = arith.addf %add3A_17, %add3A_19 : vector<512x1xf32>
    %add3A_21 = arith.addf %add3A, %get3A_4 : vector<512x64xf32>
    %mul3A = vector.broadcast %get3A_1 : vector<512x1xf32> to vector<512x64xf32>
    %mul3A_22 = arith.mulf %mul3A, %add3A_21 : vector<512x64xf32>
    %get3A_23 = arith.constant 0 : index
    %get3A_24 = arith.constant 0 : index
    %get3A_25 = vector.load %arg6[%get3A_23, %get3A_24] : memref<1x64xf32, #tpu.memory_space<vmem>>, vector<1x64xf32>
    %mul3A_26 = vector.broadcast %add3A_20 : vector<512x1xf32> to vector<512x64xf32>
    %mul3A_27 = vector.broadcast %get3A_25 : vector<1x64xf32> to vector<512x64xf32>
    %mul3A_28 = arith.mulf %mul3A_26, %mul3A_27 : vector<512x64xf32>
    %add3A_29 = arith.addf %mul3A_22, %mul3A_28 : vector<512x64xf32>
    %swap3A = arith.constant 0 : index
    %swap3A_30 = arith.constant 0 : index
    %swap3A_31 = vector.load %arg7[%swap3A, %swap3A_30] : memref<512x64xf32, #tpu.memory_space<vmem>>, vector<512x64xf32>
    tpu.vector_store %arg7[%swap3A, %swap3A_30], %add3A_29 {strides = array<i32>} : memref<512x64xf32, #tpu.memory_space<vmem>>, vector<512x64xf32>,
    return
  }
  func.func @transform_0(%arg0: i32) -> (i32, i32) {
    %c0_i32 = arith.constant 0 : i32
    %c0_i32_0 = arith.constant 0 : i32
    return %arg0, %c0_i32 : i32, i32
  }
  func.func @transform_1(%arg0: i32) -> (i32, i32) {
    %c0_i32 = arith.constant 0 : i32
    %c0_i32_0 = arith.constant 0 : i32
    return %arg0, %c0_i32 : i32, i32
  }
  func.func @transform_2(%arg0: i32) -> (i32, i32) {
    %c0_i32 = arith.constant 0 : i32
    %c0_i32_0 = arith.constant 0 : i32
    return %arg0, %c0_i32 : i32, i32
  }
  func.func @transform_3(%arg0: i32) -> (i32, i32) {
    %c0_i32 = arith.constant 0 : i32
    %c0_i32_0 = arith.constant 0 : i32
    return %arg0, %c0_i32 : i32, i32
  }
  func.func @transform_4(%arg0: i32) -> (i32, i32) {
    %c0_i32 = arith.constant 0 : i32
    %c0_i32_0 = arith.constant 0 : i32
    return %arg0, %c0_i32 : i32, i32
  }
  func.func @transform_5(%arg0: i32) -> (i32, i32) {
    %c0_i32 = arith.constant 0 : i32
    %c0_i32_0 = arith.constant 0 : i32
    %c0_i32_1 = arith.constant 0 : i32
    return %c0_i32, %c0_i32_0 : i32, i32
  }
  func.func @transform_6(%arg0: i32) -> (i32, i32) {
    %c0_i32 = arith.constant 0 : i32
    %c0_i32_0 = arith.constant 0 : i32
    return %arg0, %c0_i32 : i32, i32
  }
}

</mosaic_0001>

<sc_bundles>
// kernel: kernel.10.cloned.1.call-start
scs
__scs_entry_jumppad:
0x0: {  	(pc) =	sbr.rel $0x88, $3  }
0x1: {  	(tag) =	ssettag $0x0;
	lr =	simm.s32 $0x1  }
0x2: {  	[smem:$0x3F9C] =	sst lr;
	_ =	strace $0xD0000000  }
0x3: {  	_ = 	snop  }
0x4: {  	_ = 	snop  }
0x5: {  	_ = 	snop  }
0x6: {  	_ = 	snop  }
0x7: {  	_ = 	snop  }
__scs_overlays_trampoline_lowered:
0x8: {  	[smem:$0x3FAB] =	sst s0  }
0x9: {  	[smem:$0x3FAC] =	sst s1  }
0xa: {  	[smem:$0x3FAD] =	sst s2  }
0xb: {  	[smem:$0x3FAE] =	sst s3  }
0xc: {  	[smem:$0x3FAF] =	sst s4  }
0xd: {  	[smem:$0x3FB0] =	sst s5  }
0xe: {  	[smem:$0x3FB1] =	sst s6  }
0xf: {  	[smem:$0x3FB2] =	sst s7  }
0x10: {  	[smem:$0x3FB3] =	sst s8  }
0x11: {  	[smem:$0x3FB4] =	sst s9;
	s0 =	simm.s32 @!p0 $0x0  }
0x12: {  	s1 =	sld [smem:$0x3F9A];
	s0 =	simm.s32 @p0 $0x1  }
0x13: {  	[smem:$0x3FB5] =	sst s0;
	s0 =	simm.s32 @!p1 $0x0  }
0x14: {  	s2 =	sld [smem:$0x3F99];
	s0 =	simm.s32 @p1 $0x1  }
0x15: {  	[smem:$0x3FB6] =	sst s0;
	s0 =	simm.s32 @!p2 $0x0  }
0x16: {  	s3 =	sld [smem:$0x3FDB];
	s0 =	simm.s32 @p2 $0x1  }
0x17: {  	s4 =	simm.s32 $0x1BF5;
	[smem:$0x3FB8] =	sst s0  }
0x18: {  	s0 =	sld [smem:$0x3F9B];
	_ =	swait.ge [sflag:s4], $0x0  }
0x19: {  	s7 =	sld [smem:$0x3F9C]  }
0x1a: {  	s8 =	sadd.s32 $0xFFFFE003, lr  }
0x1b: {  	s9 =	sadd.s32 $0xFFFFFEF7, lr;
	s5 =	simm.s32 $0xFFFFFFFF;
	p2 =	slt.u32 s8, $0xFFFFF086  }
0x1c: {  	p1 =	slt.u32 s9, $0xF7A;
	s5 =	simm.s32 @!p2 $0x0  }
0x1d: {  	s5 =	simm.s32 @p1 $0x1;
	p0 =	seq.s32 s7, s2  }
0x1e: {  	s7 =	smul.u32 @!p0 $0xF7A, s2;
	p2 =	seq.s32 @!p0 s5, $0x0  }
0x1f: {  	s9 =	smul.u32 $0xF7A, s1;
	s8 =	simm.s32 @!p0 $0x1BF5;
	p2 =	por !p2, p0  }
0x20: {  	[sflag:s8] =	ssyncset.s32 @!p0 $0xFFFFF086;
	s6 =	sadd.s32 @!p0 s3, s7;
	s7 =	simm.s32 @!p0 $0x108  }
0x21: {  	s3 =	sadd.s32 s3, s9;
	s6 =	sadd.s32 @!p0 $0x88, s6;
	s7 =	simm.s32 @p2 $0x1082  }
0x22: {  	[simem:s7], [sflag:s8] =	dma.local @!p0 [hbm:s6], $0xF7A  }
0x23: {  	s9 =	sor.u32 $0xD0000000, s2;
	s6 =	simm.s32 $0x108;
	_ =	swait.ge @!p0 [sflag:s8], $0x0  }
0x24: {  	s3 =	sadd.s32 $0x88, s3;
	s6 =	simm.s32 @!p1 $0x1082;
	[sflag:s4] =	ssyncset.s32 $0xFFFFF086  }
0x25: {  	[simem:s6], [sflag:s4] =	dma.local [hbm:s3], $0xF7A  }
0x26: {  	[smem:$0x3F9C] =	sst s1;
	(tag) =	ssettag s2;
	_ =	strace s9  }
0x27: {  	s1 =	sld [smem:$0x3FAC]  }
0x28: {  	s2 =	sld [smem:$0x3FAD]  }
0x29: {  	s4 =	sld [smem:$0x3FAF]  }
0x2a: {  	p0 =	seq.s32 s5, $0x0;
	s5 =	sld [smem:$0x3FB0]  }
0x2b: {  	s6 =	sld [smem:$0x3FB1]  }
0x2c: {  	s7 =	sld [smem:$0x3FB2]  }
0x2d: {  	s3 =	simm.s32 $0x108;
	s8 =	sld [smem:$0x3FB3]  }
0x2e: {  	s3 =	simm.s32 @!p0 $0x1082;
	s9 =	sld [smem:$0x3FB4]  }
0x2f: {  	lr =	sadd.s32 s0, s3;
	s0 =	sld [smem:$0x3FAB]  }
0x30: {  	s3 =	sld [smem:$0x3FAE]  }
0x31: {  	[smem:$0x3FB7] =	sst s10  }
0x32: {  	s10 =	sld [smem:$0x3FB5];
	_ =	sdelay $0x3  }
0x33: {  	p0 =	seq.s32 s10, $0x1;
	s10 =	sld [smem:$0x3FB7];
	_ =	sdelay $0x3  }
0x34: {  	[smem:$0x3FB7] =	sst s10  }
0x35: {  	s10 =	sld [smem:$0x3FB6];
	_ =	sdelay $0x3  }
0x36: {  	p1 =	seq.s32 s10, $0x1;
	s10 =	sld [smem:$0x3FB7];
	_ =	sdelay $0x3  }
0x37: {  	[smem:$0x3FB7] =	sst s10  }
0x38: {  	s10 =	sld [smem:$0x3FB8]  }
0x39: {  	_ = 	snop;
	(pc) =	sbr.ind lr, $3  }
0x3a: {  	_ = 	snop  }
0x3b: {  	_ = 	snop  }
0x3c: {  	p2 =	seq.s32 s10, $0x1;
	s10 =	sld [smem:$0x3FB7]  }
0x3d: {  	_ =	shalt  }
0x3e: {  	_ =	shalt  }
0x3f: {  	_ =	shalt  }
0x40: {  	_ =	shalt  }
0x41: {  	_ =	shalt  }
0x42: {  	_ =	shalt  }
0x43: {  	_ =	shalt  }
0x44: {  	_ =	shalt  }
0x45: {  	_ =	shalt  }
0x46: {  	_ =	shalt  }
0x47: {  	_ =	shalt  }
0x48: {  	_ =	shalt  }
0x49: {  	_ =	shalt  }
0x4a: {  	_ =	shalt  }
0x4b: {  	_ =	shalt  }
0x4c: {  	_ =	shalt  }
0x4d: {  	_ =	shalt  }
0x4e: {  	_ =	shalt  }
0x4f: {  	_ =	shalt  }
0x50: {  	_ =	shalt  }
0x51: {  	_ =	shalt  }
0x52: {  	_ =	shalt  }
0x53: {  	_ =	shalt  }
0x54: {  	_ =	shalt  }
0x55: {  	_ =	shalt  }
0x56: {  	_ =	shalt  }
0x57: {  	_ =	shalt  }
0x58: {  	_ =	shalt  }
0x59: {  	_ =	shalt  }
0x5a: {  	_ =	shalt  }
0x5b: {  	_ =	shalt  }
0x5c: {  	_ =	shalt  }
0x5d: {  	_ =	shalt  }
0x5e: {  	_ =	shalt  }
0x5f: {  	_ =	shalt  }
0x60: {  	_ =	shalt  }
0x61: {  	_ =	shalt  }
0x62: {  	_ =	shalt  }
0x63: {  	_ =	shalt  }
0x64: {  	_ =	shalt  }
0x65: {  	_ =	shalt  }
0x66: {  	_ =	shalt  }
0x67: {  	_ =	shalt  }
0x68: {  	_ =	shalt  }
0x69: {  	_ =	shalt  }
0x6a: {  	_ =	shalt  }
0x6b: {  	_ =	shalt  }
0x6c: {  	_ =	shalt  }
0x6d: {  	_ =	shalt  }
0x6e: {  	_ =	shalt  }
0x6f: {  	_ =	shalt  }
0x70: {  	_ =	shalt  }
0x71: {  	_ =	shalt  }
0x72: {  	_ =	shalt  }
0x73: {  	_ =	shalt  }
0x74: {  	_ =	shalt  }
0x75: {  	_ =	shalt  }
0x76: {  	_ =	shalt  }
0x77: {  	_ =	shalt  }
0x78: {  	_ =	shalt  }
0x79: {  	_ =	shalt  }
0x7a: {  	_ =	shalt  }
0x7b: {  	_ =	shalt  }
0x7c: {  	_ =	shalt  }
0x7d: {  	_ =	shalt  }
0x7e: {  	_ =	shalt  }
0x7f: {  	_ =	shalt  }
0x80: {  	_ =	shalt  }
0x81: {  	_ =	shalt  }
0x82: {  	_ =	shalt  }
0x83: {  	_ =	shalt  }
0x84: {  	_ =	shalt  }
0x85: {  	_ =	shalt  }
0x86: {  	_ =	shalt  }
0x87: {  	_ =	shalt  }
.Lfunc_end0:
.L_simem_size_0:
called_computation.1_lowered:
.L_overlay_start_0:
0x88: {  	s2 =	sld [smem:$0x3FD9]  }
0x89: {  	s3 =	sld [smem:$0x3FFE];
	_ =	sdelay $0x1  }
0x8a: {  	s1 =	srdreg.scid  }
0x8b: {  	s0 =	sand.u32 $0x1, s1  }
0x8c: {  	s17 =	sshll.u32 s0, $0xA;
	s2 =	sadd.s32 s3, s2  }
0x8d: {  	s2 =	sadd.s32 s2, s17  }
0x8e: {  	[smem:$0x3FC3] =	sst s2  }
0x8f: {  	_ = 	snop  }
0x90: {  	s2 =	sld [smem:$0x3FD0];
	(tm) =	ssettm $0x1  }
0x91: {  	s18 =	sld [smem:$0x3FFB];
	_ =	sdelay $0x3  }
0x92: {  	_ =	strace s18  }
0x93: {  	s3 =	sld [smem:$0x3FFC];
	_ =	sdelay $0x3  }
0x94: {  	_ =	strace s3  }
0x95: {  	s3 =	sld [smem:$0x3FFD];
	_ =	sdelay $0x3  }
0x96: {  	_ =	strace s3  }
0x97: {  	_ =	strace $0x8FFFFFFF  }
0x98: {  	s19 =	sld [smem:$0x3FDB];
	_ =	sdelay $0x1  }
0x99: {  	s4 =	simm.s32 $_scs_section_size  }
0x9a: {  	s5 =	simm.s32 $_size__tile_overlayer_lowered;
	s6 =	simm.s32 $_tile_overlayer_lowered  }
0x9b: {  	s22 =	simm.s32 $0x1BFF;
	s21 =	sshll.u32 s6, $0x1;
	s3 =	sadd.s32 s4, s19  }
0x9c: {  	s7 =	simm.s32 $0x0;
	s20 =	sshll.u32 s5, $0x1;
	s5 =	sadd.s32 s21, s3  }
0x9d: {  	[timem:s7], [sflag:s22] =	dma.local [hbm:s5], s20  }
0x9e: {  	_ =	swait.ge [sflag:s22], s20  }
0x9f: {  	s4 =	ssub.s32 $0x0, s20;
	[sflag:s22] =	ssyncset.done $0x0  }
0xa0: {  	[sflag:s22] =	ssyncadd.s32 s4;
	_ =	sdelay $0x1  }
0xa1: {  	s23 =	simm.s32 $0x1B8B  }
0xa2: {  	_ =	swait.ge [sflag:s23], $0x1  }
0xa3: {  	[sflag:s23] =	ssyncset.done $0x0  }
0xa4: {  	s25 =	simm.s32 $0x1B8E;
	s24 =	sld [smem:$0x3FFE];
	[sflag:s23] =	ssyncadd.s32 $0xFFFFFFFF  }
0xa5: {  	s26 =	simm.s32 $execute0_lowered;
	[smem:$0x3FD2] =	sst s25  }
0xa6: {  	s5 =	sshll.u32 s26, $0x1;
	_ =	strace $0x80000049;
	[dreg:$0x1] =	wrdreg $0xFFFFFFFF  }
0xa7: {  	s28 =	simm.s32 $_size_execute0_lowered;
	s3 =	sadd.s32 s3, s5;
	[dreg:$0x0] =	wrdreg $0x0  }
0xa8: {  	s5 =	sshll.u32 s28, $0x1;
	[dreg:$0x2] =	wrdreg s3  }
0xa9: {  	[dreg:$0x3] =	wrdreg s5  }
0xaa: {  	[dreg:$0x4] =	wrdreg $0xC0  }
0xab: {  	_ =	task [dreg:s7], $0x5FFFF  }
0xac: {  	[dreg:$0x1] =	wrdreg $0xFFFFFFFF  }
0xad: {  	[dreg:$0x0] =	wrdreg $0x60  }
0xae: {  	[dreg:$0x2] =	wrdreg s24  }
0xaf: {  	[dreg:$0x3] =	wrdreg s2  }
0xb0: {  	[dreg:$0x4] =	wrdreg $0x0  }
0xb1: {  	[dreg:$0x5] =	wrdreg $0x9  }
0xb2: {  	_ =	task.clear_ibuf [dreg:s7], $0x6FFFF;
	_ =	strace $0x90000049  }
0xb3: {  	s29 =	simm.s32 $0x9;
	_ =	strace $0x8000004B  }
0xb4: {  	_ =	swait.ge [sflag:s29], $0x1  }
0xb5: {  	[sflag:s29] =	ssyncadd.s32 $0xFFFFFFFF  }
0xb6: {  	_ =	strace $0x9000004B  }
0xb7: {  	_ =	sfence  }
0xb8: {  	s30 =	sld [smem:$0x0];
	_ =	sdelay $0x2  }
0xb9: {  	s31 =	sshll.u32 s1, $0xD;
	s1 =	sshrl.u32 s1, $0x2  }
0xba: {  	s3 =	sand.u32 $0x4000, s31;
	s1 =	sadd.s32 s1, s30  }
0xbb: {  	s0 =	sor.u32 s3, s0;
	s1 =	sshll.u32 s1, $0x11  }
0xbc: {  	s0 =	sor.u32 s1, s0  }
0xbd: {  	s0 =	sadd.s32 $0x8F2B, s0  }
0xbe: {  	[sflag:s0] =	ssyncadd.remote.s32 $0x1  }
0xbf: {  	_ =	sfence.sel $0xFFFF  }
0xc0: {  	[dreg:$0x0] =	wrdreg $0xFFFFFFFF;
	(pc) =	sbr.abs _section_cstart, $3  }
0xc1: {  	[dreg:$0x1] =	wrdreg $0xFFFFFFFF  }
0xc2: {  	_ =	task.clear_ibuf [dreg:s7], $0x2FFFF;
	_ =	strace $0x9FFFFFFF  }
0xc3: {  	(tm) =	ssettm $0x7FFFFFFF  }
tec
execute0_lowered:
.L_overlay_start_1:
0x0: {  	(tag) =	ssettag $0x1  }
0x1: {  	s0 =	rddreg [dreg:$0x0]  }
0x2: {  	s2 =	rddreg [dreg:$0x2];
	s1 =	srdreg.scid  }
0x3: {  	s4 =	simm.s32 $0x0;
	s12 =	stileid.u32;
	s18 =	simm.s32 $0x7  }
0x4: {  	s19 =	simm.s32 $0x14000;
	s28 =	simm.s32 $0x2;
	s29 =	simm.s32 $0x14080  }
0x5: {  	s30 =	simm.s32 $0x3;
	s31 =	simm.s32 $0x4;
	s1 =	sand.u32 $0x1, s1  }
0x6: {  	[smem:$0x7FF] =	sst s4;
	s8 =	smul.u32 $0x14000, s12;
	s5 =	sadd.s32 $0x2600, s0  }
0x7: {  	s6 =	sadd.s32 $0x71A00, s0;
	s7 =	sadd.s32 $0x4E4600, s0;
	s9 =	smul.u32 $0x50000, s12  }
0x8: {  	s22 =	sshll.u32 s12, $0x6;
	s3 =	smul.u32 $0x140000, s1;
	s20 =	sshll.u32 s1, $0x4  }
0x9: {  	_ =	strace $0x8000004A;
	s1 =	ssub.s32 $0x2, s1;
	s10 =	sor.u32 s12, s20  }
0xa: {  	s11 =	sshrl.u32 s1, $0x1;
	s3 =	sadd.s32 s8, s3;
	s8 =	smul.u32 $0x7D00, s10  }
0xb: {  	s9 =	sshrl.u32 s9, $0x2;
	s20 =	simm.s32 $0x50;
	s21 =	smul.u32 $0x27100, s10  }
0xc: {  	s1 =	ssub.s32 s1, s11;
	s23 =	smul.u32 $0x138800, s10;
	s14 =	sadd.s32 s9, s2  }
0xd: {  	s9 =	sor.u32 $0x1C07, s22;
	s13 =	smul.u32 $0x7D, s10;
	s22 =	simm.s32 $0x16900  }
0xe: {  	s3 =	sshrl.u32 s3, $0x3;
	s26 =	smax.u32 s1, $0x1;
	s17 =	sshrl.u32 s14, $0x3  }
0xf: {  	s1 =	simm.s32 $0x6;
	s0 =	sadd.s32 s3, s0;
	s24 =	sshrl.u32 s8, $0x3  }
0x10: {  	s3 =	sadd.s32 s7, s21;
	s25 =	sshrl.u32 s23, $0x3;
	[dreg:$0x9] =	wrdreg s26  }
0x11: {  	s21 =	simm.s32 $0x14100;
	s23 =	simm.s32 $0x19100;
	s26 =	simm.s32 $0x1  }
0x12: {  	s11 =	sadd.s32 s5, s24;
	[dreg:$0x5] =	wrdreg s3;
	s3 =	sadd.s32 s7, s25  }
0x13: {  	s0 =	sadd.s32 $0x99A00, s0;
	s24 =	simm.s32 $0x19200;
	[dreg:$0x4] =	wrdreg s11  }
0x14: {  	s25 =	simm.s32 $0x1BA00;
	s11 =	sadd.s32 $0x20, s11;
	[dreg:$0x8] =	wrdreg s0  }
0x15: {  	s3 =	sadd.s32 $0x500, s3;
	s0 =	simm.s32 $0x5;
	[dreg:$0x6] =	wrdreg s11  }
0x16: {  	[dreg:$0x7] =	wrdreg s3;
	s3 =	simm.s32 $0x19180;
	s11 =	simm.s32 $0x0  }
.LBB2_1:
0x17: {  	s10 =	rddreg [dreg:$0x1]  }
0x18: {  	[spmem:s17], [sflag:s9] =	dma.local [hbm:s10], $0x2800  }
0x19: {  	_ =	swait.ge [sflag:s18], $0x2800  }
0x1a: {  	[sflag:s18] =	ssyncset.done $0x0  }
0x1b: {  	[sflag:s18] =	ssyncadd.s32 $0xFFFFD800  }
0x1c: {  	[bflag:$0x0] =	sbarrier.arrive $0xFFFF  }
0x1d: {  	s12 =	rddreg [dreg:$0x4]  }
0x1e: {  	[tilespmem:s19], [sflag:$0x7] =	stream.linear.gather [hbm4b:s12+s4], $0x100, $0x38;
	[tilespmem:$0x1E200] =	vst v63  }
0x1f: {  	_ =	swait.ge [sflag:s18], $0x100  }
0x20: {  	[sflag:s18] =	ssyncset.done $0x0  }
0x21: {  	[sflag:s18] =	ssyncadd.s32 $0xFFFFFF00  }
0x22: {  	[tilespmem:s21], [sflag:$0x1] =	stream.indirect.gather [hbm4b:s6+s20], $0x80, s19, s20, $0xb8;
	[tilespmem:$0x1E200] =	vst v63  }
0x23: {  	s14 =	rddreg [dreg:$0x5]  }
0x24: {  	[tilespmem:s22], [sflag:$0x2] =	stream.linear.gather [hbm4b:s14+s4], $0x2800, $0x38;
	[tilespmem:$0x1E200] =	vst v63  }
0x25: {  	s15 =	rddreg [dreg:$0x6]  }
0x26: {  	[tilespmem:s23], [sflag:$0x7] =	stream.linear.gather [hbm4b:s15+s4], $0x100, $0x38;
	[tilespmem:$0x1E200] =	vst v63  }
0x27: {  	_ =	swait.ge [sflag:s18], $0x100  }
0x28: {  	[sflag:s18] =	ssyncset.done $0x0  }
0x29: {  	[sflag:s18] =	ssyncadd.s32 $0xFFFFFF00  }
0x2a: {  	[tilespmem:s24], [sflag:$0x4] =	stream.indirect.gather [hbm4b:s6+s20], $0x80, s23, s20, $0xb8;
	[tilespmem:$0x1E200] =	vst v63  }
0x2b: {  	s12 =	simm.s32 $0x0;
	s16 =	rddreg [dreg:$0x7]  }
0x2c: {  	[tilespmem:s25], [sflag:$0x5] =	stream.linear.gather [hbm4b:s16+s4], $0x2800, $0x38;
	[tilespmem:$0x1E200] =	vst v63  }
.LBB2_2:
0x2d: {  	_ =	swait.ge [sflag:s26], $0x2800  }
0x2e: {  	[sflag:s26] =	ssyncset.done $0x0  }
0x2f: {  	[sflag:s26] =	ssyncadd.s32 $0xFFFFD800  }
0x30: {  	_ =	swait.ge [sflag:s28], $0x2800  }
0x31: {  	[sflag:s28] =	ssyncset.done $0x0  }
0x32: {  	s15 =	simm.s32 $0x0;
	[sflag:s28] =	ssyncadd.s32 $0xFFFFD800  }
0x33: {  	v5 =	vld [tilespmem:s15+$0x14140]  }
0x34: {  	v0 =	vld [tilespmem:s15+$0x16900]  }
0x35: {  	v2 =	vld [tilespmem:s15+$0x16910]  }
0x36: {  	v4 =	vld [tilespmem:s15+$0x16920]  }
0x37: {  	v6 =	vld [tilespmem:s15+$0x16930]  }
0x38: {  	v3 =	vld [tilespmem:s15+$0x14100]  }
0x39: {  	v7 =	vld [tilespmem:s15+$0x14110]  }
0x3a: {  	v8 =	vld [tilespmem:s15+$0x14120]  }
0x3b: {  	s14 =	simm.s32 $0x80;
	v9 =	vld [tilespmem:s15+$0x14130];
	v10 =	vmul.f32 v0, v5  }
0x3c: {  	v1 =	vld [tilespmem:s14+$0x16900];
	v11 =	vmul.f32 v2, v5  }
0x3d: {  	v0 =	vld [tilespmem:s14+$0x14140];
	v63 =	vmul.f32 v4, v5;
	v10 =	vadd.f32 v10, v3  }
0x3e: {  	v2 =	vld [tilespmem:s14+$0x16920];
	v6 =	vmul.f32 v6, v5;
	v7 =	vadd.f32 v11, v7  }
0x3f: {  	v3 =	vld [tilespmem:s14+$0x16910];
	v8 =	vadd.f32 v63, v8;
	[tilespmem:s15+$0x14100] =	vst v10  }
0x40: {  	v6 =	vadd.f32 v6, v9;
	v4 =	vld [tilespmem:s14+$0x16930];
	[tilespmem:s15+$0x14110] =	vst v7  }
0x41: {  	s16 =	simm.s32 $0x400;
	v5 =	vld [tilespmem:s14+$0x14100];
	[tilespmem:s15+$0x14120] =	vst v8  }
.LBB2_3:
0x42: {  	p0 =	sne.s32 s16, $0x9E00;
	v7 =	vld [tilespmem:s14+$0x14110];
	[tilespmem:s15+$0x14130] =	vst v6;
	s15 =	smov.u32 s14  }
0x43: {  	v6 =	vld [tilespmem:s15+$0x14120]  }
0x44: {  	s14 =	sshra.s32 s16, $0x2;
	v8 =	vmul.f32 v1, v0;
	v9 =	vld [tilespmem:s15+$0x14130]  }
0x45: {  	v11 =	vmul.f32 v3, v0;
	v10 =	vld [tilespmem:s14+$0x14140]  }
.Ltmp0:
0x46: {  	v1 =	vld [tilespmem:s14+$0x16900];
	v5 =	vadd.f32 v8, v5;
	v8 =	vmul.f32 v2, v0;
	(pc) =	sbr.rel @p0 .LBB2_3-.Ltmp0, $4  }
0x47: {  	v3 =	vld [tilespmem:s14+$0x16910];
	v7 =	vadd.f32 v11, v7;
	v11 =	vmul.f32 v4, v0  }
0x48: {  	v2 =	vld [tilespmem:s14+$0x16920];
	[tilespmem:s15+$0x14100] =	vst v5;
	v8 =	vadd.f32 v8, v6  }
0x49: {  	v4 =	vld [tilespmem:s14+$0x16930];
	[tilespmem:s15+$0x14110] =	vst v7;
	v6 =	vadd.f32 v11, v9  }
0x4a: {  	s16 =	sadd.s32 $0x200, s16;
	v5 =	vld [tilespmem:s14+$0x14100];
	[tilespmem:s15+$0x14120] =	vst v8;
	v0 =	vmov v10  }
0x4b: {  	v7 =	vld [tilespmem:s14+$0x14110];
	[tilespmem:s15+$0x14130] =	vst v6  }
0x4c: {  	v6 =	vld [tilespmem:s14+$0x14120]  }
0x4d: {  	v1 =	vmul.f32 v1, v0;
	v8 =	vld [tilespmem:s14+$0x14130]  }
0x4e: {  	v3 =	vmul.f32 v3, v0  }
0x4f: {  	v2 =	vmul.f32 v2, v0;
	v1 =	vadd.f32 v1, v5  }
0x50: {  	v0 =	vmul.f32 v4, v0;
	v3 =	vadd.f32 v3, v7  }
0x51: {  	[tilespmem:s14+$0x14100] =	vst v1;
	v1 =	vadd.f32 v2, v6  }
0x52: {  	v0 =	vadd.f32 v0, v8;
	[tilespmem:s14+$0x14110] =	vst v3  }
0x53: {  	[tilespmem:s14+$0x14120] =	vst v1  }
0x54: {  	[tilespmem:s14+$0x14130] =	vst v0;
	s14 =	sshll.u32 s12, $0x1  }
0x55: {  	[spmem:s2] =	stream.indirect.scatter.add.f32 [tilespmem:s21], [sflag:$0x3], $0x80, s29, s20, $0xb8;
	[tilespmem:$0x1E200] =	vst v63  }
0x56: {  	s10 =	sadd.s32 $0x2, s14  }
0x57: {  	s16 =	sshll.u32 s10, $0x8  }
0x58: {  	_ =	swait.ge [sflag:s30], $0x2800;
	s15 =	sadd.s32 s8, s16  }
0x59: {  	[sflag:s30] =	ssyncset.done $0x0;
	s15 =	sshrl.u32 s15, $0x3  }
0x5a: {  	s16 =	simm.s32 $0x0;
	[sflag:s30] =	ssyncadd.s32 $0xFFFFD800;
	s15 =	sadd.s32 s5, s15  }
0x5b: {  	[tilespmem:s19], [sflag:$0x7] =	stream.linear.gather [hbm4b:s15+s16], $0x100, $0x38;
	[tilespmem:$0x1E200] =	vst v63  }
0x5c: {  	_ =	swait.ge [sflag:s18], $0x100  }
0x5d: {  	s10 =	sadd.s32 s13, s10;
	[sflag:s18] =	ssyncset.done $0x0  }
0x5e: {  	s10 =	smul.u32 $0x500, s10;
	[sflag:s18] =	ssyncadd.s32 $0xFFFFFF00  }
0x5f: {  	[tilespmem:s21], [sflag:$0x1] =	stream.indirect.gather [hbm4b:s6+s20], $0x80, s19, s20, $0xb8;
	[tilespmem:$0x1E200] =	vst v63  }
0x60: {  	s10 =	sadd.s32 s7, s10  }
0x61: {  	[tilespmem:s22], [sflag:$0x2] =	stream.linear.gather [hbm4b:s10+s16], $0x2800, $0x38;
	[tilespmem:$0x1E200] =	vst v63  }
0x62: {  	_ =	swait.ge [sflag:s31], $0x2800  }
0x63: {  	[sflag:s31] =	ssyncset.done $0x0  }
0x64: {  	[sflag:s31] =	ssyncadd.s32 $0xFFFFD800  }
0x65: {  	_ =	swait.ge [sflag:s0], $0x2800  }
0x66: {  	[sflag:s0] =	ssyncset.done $0x0  }
0x67: {  	s16 =	simm.s32 $0x0;
	[sflag:s0] =	ssyncadd.s32 $0xFFFFD800  }
0x68: {  	v5 =	vld [tilespmem:s16+$0x19240]  }
0x69: {  	v0 =	vld [tilespmem:s16+$0x1BA00]  }
0x6a: {  	v2 =	vld [tilespmem:s16+$0x1BA10]  }
0x6b: {  	v4 =	vld [tilespmem:s16+$0x1BA20]  }
0x6c: {  	v6 =	vld [tilespmem:s16+$0x1BA30]  }
0x6d: {  	v3 =	vld [tilespmem:s16+$0x19200]  }
0x6e: {  	v7 =	vld [tilespmem:s16+$0x19210]  }
0x6f: {  	v8 =	vld [tilespmem:s16+$0x19220]  }
0x70: {  	s15 =	simm.s32 $0x80;
	v9 =	vld [tilespmem:s16+$0x19230];
	v10 =	vmul.f32 v0, v5  }
0x71: {  	v1 =	vld [tilespmem:s15+$0x1BA00];
	v11 =	vmul.f32 v2, v5  }
0x72: {  	v0 =	vld [tilespmem:s15+$0x19240];
	v63 =	vmul.f32 v4, v5;
	v10 =	vadd.f32 v10, v3  }
0x73: {  	v2 =	vld [tilespmem:s15+$0x1BA20];
	v6 =	vmul.f32 v6, v5;
	v7 =	vadd.f32 v11, v7  }
0x74: {  	v3 =	vld [tilespmem:s15+$0x1BA10];
	v8 =	vadd.f32 v63, v8;
	[tilespmem:s16+$0x19200] =	vst v10  }
0x75: {  	v6 =	vadd.f32 v6, v9;
	v4 =	vld [tilespmem:s15+$0x1BA30];
	[tilespmem:s16+$0x19210] =	vst v7  }
0x76: {  	s10 =	simm.s32 $0x400;
	v5 =	vld [tilespmem:s15+$0x19200];
	[tilespmem:s16+$0x19220] =	vst v8  }
.LBB2_5:
0x77: {  	p0 =	sne.s32 s10, $0x9E00;
	v7 =	vld [tilespmem:s15+$0x19210];
	[tilespmem:s16+$0x19230] =	vst v6;
	s16 =	smov.u32 s15  }
0x78: {  	v6 =	vld [tilespmem:s16+$0x19220]  }
0x79: {  	s15 =	sshra.s32 s10, $0x2;
	v8 =	vmul.f32 v1, v0;
	v9 =	vld [tilespmem:s16+$0x19230]  }
0x7a: {  	v11 =	vmul.f32 v3, v0;
	v10 =	vld [tilespmem:s15+$0x19240]  }
.Ltmp1:
0x7b: {  	v1 =	vld [tilespmem:s15+$0x1BA00];
	v5 =	vadd.f32 v8, v5;
	v8 =	vmul.f32 v2, v0;
	(pc) =	sbr.rel @p0 .LBB2_5-.Ltmp1, $4  }
0x7c: {  	v3 =	vld [tilespmem:s15+$0x1BA10];
	v7 =	vadd.f32 v11, v7;
	v11 =	vmul.f32 v4, v0  }
0x7d: {  	v2 =	vld [tilespmem:s15+$0x1BA20];
	[tilespmem:s16+$0x19200] =	vst v5;
	v8 =	vadd.f32 v8, v6  }
0x7e: {  	v4 =	vld [tilespmem:s15+$0x1BA30];
	[tilespmem:s16+$0x19210] =	vst v7;
	v6 =	vadd.f32 v11, v9  }
0x7f: {  	s10 =	sadd.s32 $0x200, s10;
	v5 =	vld [tilespmem:s15+$0x19200];
	[tilespmem:s16+$0x19220] =	vst v8;
	v0 =	vmov v10  }
0x80: {  	v7 =	vld [tilespmem:s15+$0x19210];
	[tilespmem:s16+$0x19230] =	vst v6  }
0x81: {  	v6 =	vld [tilespmem:s15+$0x19220]  }
0x82: {  	v1 =	vmul.f32 v1, v0;
	v8 =	vld [tilespmem:s15+$0x19230]  }
0x83: {  	v3 =	vmul.f32 v3, v0  }
0x84: {  	v2 =	vmul.f32 v2, v0;
	v1 =	vadd.f32 v1, v5  }
0x85: {  	p0 =	seq.s32 s12, $0x3D;
	v62 =	vmul.f32 v4, v0;
	v3 =	vadd.f32 v3, v7  }
.Ltmp2:
0x86: {  	[tilespmem:s15+$0x19200] =	vst v1;
	v63 =	vadd.f32 v2, v6;
	(pc) =	sbr.rel @p0 .LBB2_8-.Ltmp2, $4  }
0x87: {  	v0 =	vadd.f32 v62, v8;
	[tilespmem:s15+$0x19210] =	vst v3  }
0x88: {  	[tilespmem:s15+$0x19220] =	vst v63  }
0x89: {  	[tilespmem:s15+$0x19230] =	vst v0  }
0x8a: {  	[spmem:s2] =	stream.indirect.scatter.add.f32 [tilespmem:s24], [sflag:$0x6], $0x80, s3, s20, $0xb8;
	[tilespmem:$0x1E200] =	vst v63  }
0x8b: {  	s10 =	sadd.s32 $0x3, s14  }
0x8c: {  	s14 =	sshll.u32 s10, $0x8  }
0x8d: {  	_ =	swait.ge [sflag:s1], $0x2800;
	s14 =	sadd.s32 s8, s14  }
0x8e: {  	[sflag:s1] =	ssyncset.done $0x0;
	s14 =	sshrl.u32 s14, $0x3  }
0x8f: {  	[sflag:s1] =	ssyncadd.s32 $0xFFFFD800;
	s14 =	sadd.s32 s5, s14  }
0x90: {  	[tilespmem:s23], [sflag:$0x7] =	stream.linear.gather [hbm4b:s14+s4], $0x100, $0x38;
	[tilespmem:$0x1E200] =	vst v63  }
0x91: {  	_ =	swait.ge [sflag:s18], $0x100  }
.Ltmp3:
0x92: {  	s10 =	sadd.s32 s13, s10;
	[sflag:s18] =	ssyncset.done $0x0;
	(pc) =	sbr.rel .LBB2_2-.Ltmp3, $4  }
0x93: {  	s10 =	smul.u32 $0x500, s10;
	[sflag:s18] =	ssyncadd.s32 $0xFFFFFF00  }
0x94: {  	[tilespmem:s24], [sflag:$0x4] =	stream.indirect.gather [hbm4b:s6+s20], $0x80, s23, s20, $0xb8;
	[tilespmem:$0x1E200] =	vst v63  }
0x95: {  	s12 =	sadd.s32 $0x1, s12;
	s10 =	sadd.s32 s7, s10  }
0x96: {  	[tilespmem:s25], [sflag:$0x5] =	stream.linear.gather [hbm4b:s10+s4], $0x2800, $0x38;
	[tilespmem:$0x1E200] =	vst v63  }
.LBB2_8:
0x97: {  	_ =	swait.ge [sflag:s26], $0x2800  }
0x98: {  	[sflag:s26] =	ssyncset.done $0x0  }
0x99: {  	[sflag:s26] =	ssyncadd.s32 $0xFFFFD800  }
0x9a: {  	_ =	swait.ge [sflag:s28], $0x2800  }
0x9b: {  	[sflag:s28] =	ssyncset.done $0x0  }
0x9c: {  	s14 =	simm.s32 $0x0;
	[sflag:s28] =	ssyncadd.s32 $0xFFFFD800  }
0x9d: {  	v5 =	vld [tilespmem:s14+$0x14140]  }
0x9e: {  	v0 =	vld [tilespmem:s14+$0x16900]  }
0x9f: {  	v2 =	vld [tilespmem:s14+$0x16910]  }
0xa0: {  	v4 =	vld [tilespmem:s14+$0x16920]  }
0xa1: {  	v6 =	vld [tilespmem:s14+$0x16930]  }
0xa2: {  	v3 =	vld [tilespmem:s14+$0x14100]  }
0xa3: {  	v7 =	vld [tilespmem:s14+$0x14110]  }
0xa4: {  	v8 =	vld [tilespmem:s14+$0x14120]  }
0xa5: {  	s12 =	simm.s32 $0x80;
	v9 =	vld [tilespmem:s14+$0x14130];
	v10 =	vmul.f32 v0, v5  }
0xa6: {  	v1 =	vld [tilespmem:s12+$0x16900];
	v11 =	vmul.f32 v2, v5  }
0xa7: {  	v0 =	vld [tilespmem:s12+$0x14140];
	v63 =	vmul.f32 v4, v5;
	v10 =	vadd.f32 v10, v3  }
0xa8: {  	v2 =	vld [tilespmem:s12+$0x16920];
	v6 =	vmul.f32 v6, v5;
	v7 =	vadd.f32 v11, v7  }
0xa9: {  	v3 =	vld [tilespmem:s12+$0x16910];
	v8 =	vadd.f32 v63, v8;
	[tilespmem:s14+$0x14100] =	vst v10  }
0xaa: {  	v6 =	vadd.f32 v6, v9;
	v4 =	vld [tilespmem:s12+$0x16930];
	[tilespmem:s14+$0x14110] =	vst v7  }
0xab: {  	s10 =	simm.s32 $0x400;
	v5 =	vld [tilespmem:s12+$0x14100];
	[tilespmem:s14+$0x14120] =	vst v8  }
.LBB2_9:
0xac: {  	p0 =	sne.s32 s10, $0x9E00;
	v7 =	vld [tilespmem:s12+$0x14110];
	[tilespmem:s14+$0x14130] =	vst v6;
	s14 =	smov.u32 s12  }
0xad: {  	v6 =	vld [tilespmem:s14+$0x14120]  }
0xae: {  	s12 =	sshra.s32 s10, $0x2;
	v8 =	vmul.f32 v1, v0;
	v9 =	vld [tilespmem:s14+$0x14130]  }
0xaf: {  	v11 =	vmul.f32 v3, v0;
	v10 =	vld [tilespmem:s12+$0x14140]  }
.Ltmp4:
0xb0: {  	v1 =	vld [tilespmem:s12+$0x16900];
	v5 =	vadd.f32 v8, v5;
	v8 =	vmul.f32 v2, v0;
	(pc) =	sbr.rel @p0 .LBB2_9-.Ltmp4, $4  }
0xb1: {  	v3 =	vld [tilespmem:s12+$0x16910];
	v7 =	vadd.f32 v11, v7;
	v11 =	vmul.f32 v4, v0  }
0xb2: {  	v2 =	vld [tilespmem:s12+$0x16920];
	[tilespmem:s14+$0x14100] =	vst v5;
	v8 =	vadd.f32 v8, v6  }
0xb3: {  	v4 =	vld [tilespmem:s12+$0x16930];
	[tilespmem:s14+$0x14110] =	vst v7;
	v6 =	vadd.f32 v11, v9  }
0xb4: {  	s10 =	sadd.s32 $0x200, s10;
	v5 =	vld [tilespmem:s12+$0x14100];
	[tilespmem:s14+$0x14120] =	vst v8;
	v0 =	vmov v10  }
0xb5: {  	v7 =	vld [tilespmem:s12+$0x14110];
	[tilespmem:s14+$0x14130] =	vst v6  }
0xb6: {  	v6 =	vld [tilespmem:s12+$0x14120]  }
0xb7: {  	v1 =	vmul.f32 v1, v0;
	v8 =	vld [tilespmem:s12+$0x14130]  }
0xb8: {  	v3 =	vmul.f32 v3, v0  }
0xb9: {  	v2 =	vmul.f32 v2, v0;
	v1 =	vadd.f32 v1, v5  }
0xba: {  	v62 =	vmul.f32 v4, v0;
	v3 =	vadd.f32 v3, v7  }
0xbb: {  	[tilespmem:s12+$0x14100] =	vst v1;
	v63 =	vadd.f32 v2, v6  }
0xbc: {  	v0 =	vadd.f32 v62, v8;
	[tilespmem:s12+$0x14110] =	vst v3  }
0xbd: {  	[tilespmem:s12+$0x14120] =	vst v63  }
0xbe: {  	[tilespmem:s12+$0x14130] =	vst v0  }
0xbf: {  	[spmem:s2] =	stream.indirect.scatter.add.f32 [tilespmem:s21], [sflag:$0x3], $0x80, s29, s20, $0xb8;
	[tilespmem:$0x1E200] =	vst v63  }
0xc0: {  	_ =	swait.ge [sflag:s30], $0x2800  }
0xc1: {  	[sflag:s30] =	ssyncset.done $0x0  }
0xc2: {  	[sflag:s30] =	ssyncadd.s32 $0xFFFFD800  }
0xc3: {  	_ =	swait.ge [sflag:s1], $0x2800  }
0xc4: {  	[sflag:s1] =	ssyncset.done $0x0  }
0xc5: {  	[sflag:s1] =	ssyncadd.s32 $0xFFFFD800  }
0xc6: {  	[bflag:$0x0] =	sbarrier.arrive $0xFFFF  }
0xc7: {  	s10 =	rddreg [dreg:$0x8]  }
0xc8: {  	[hbm:s10], [sflag:s9] =	dma.local [spmem:s17], $0x2800  }
0xc9: {  	_ =	swait.ge [sflag:s18], $0x2800  }
0xca: {  	s11 =	sadd.s32 $0x1, s11;
	s16 =	rddreg [dreg:$0x9]  }
0xcb: {  	p0 =	sne.s32 s11, s16  }
.Ltmp5:
0xcc: {  	_ = 	snop;
	(pc) =	sbr.rel @p0 .LBB2_1-.Ltmp5, $3  }
0xcd: {  	_ =	sdelay $0x1  }
0xce: {  	[sflag:s18] =	ssyncset.done $0x0  }
0xcf: {  	[sflag:s18] =	ssyncadd.s32 $0xFFFFD800  }
0xd0: {  	_ =	sfence.sel $0x180000  }
0xd1: {  	[bflag:$0x0] =	sbarrier.arrive $0xFFFF  }
0xd2: {  	_ =	strace $0x9000004A  }
0xd3: {  	s0 =	stileid.u32;
	[bflag:$0x2] =	sbarrier.arrive $0xFFFF  }
0xd4: {  	p0 =	sne.s32 s0, $0x0;
	s0 =	rddreg [dreg:$0x3]  }
0xd5: {  	s0 =	sadd.s32 @!p0 $0x100000, s0  }
0xd6: {  	[sflag:s0] =	ssyncadd.tile.s32 @!p0 $0x1;
	_ =	shalt  }
.Lfunc_end2:
_tile_overlayer_lowered:
.L_overlay_start_2:
0xd7: {  	(tag) =	ssettag $0x2  }
0xd8: {  	s0 =	rddreg [dreg:$0x0];
	s2 =	stileid.u32  }
0xd9: {  	s1 =	rddreg [dreg:$0x1];
	p0 =	sne.s32 s2, $0x0  }
0xda: {  	s3 =	rddreg [dreg:$0x2];
	[bflag:$0x3] =	sbarrier.arrive $0xFFFF;
	s2 =	simm.s32 @!p0 $0x1C07  }
0xdb: {  	[timem:s3], [sflag:s2] =	dma.local @!p0 [hbm:s0], s1  }
0xdc: {  	s0 =	simm.s32 @!p0 $0x7  }
0xdd: {  	_ =	swait.ge @!p0 [sflag:s0], s1  }
0xde: {  	s1 =	ssub.s32 @!p0 $0x0, s1;
	[sflag:s0] =	ssyncset.done @!p0 $0x0  }
0xdf: {  	[sflag:s0] =	ssyncadd.s32 @!p0 s1  }
0xe0: {  	[bflag:$0x3] =	sbarrier.arrive $0xFFFF  }
0xe1: {  	_ =	shalt  }

// kernel: kernel.7.cloned.1.call-start
scs
__scs_entry_jumppad:
0x0: {  	(pc) =	sbr.rel $0x88, $3  }
0x1: {  	(tag) =	ssettag $0x0;
	lr =	simm.s32 $0x1  }
0x2: {  	[smem:$0x3F9C] =	sst lr;
	_ =	strace $0xD0000000  }
0x3: {  	_ = 	snop  }
0x4: {  	_ = 	snop  }
0x5: {  	_ = 	snop  }
0x6: {  	_ = 	snop  }
0x7: {  	_ = 	snop  }
__scs_overlays_trampoline_lowered:
0x8: {  	[smem:$0x3FAB] =	sst s0  }
0x9: {  	[smem:$0x3FAC] =	sst s1  }
0xa: {  	[smem:$0x3FAD] =	sst s2  }
0xb: {  	[smem:$0x3FAE] =	sst s3  }
0xc: {  	[smem:$0x3FAF] =	sst s4  }
0xd: {  	[smem:$0x3FB0] =	sst s5  }
0xe: {  	[smem:$0x3FB1] =	sst s6  }
0xf: {  	[smem:$0x3FB2] =	sst s7  }
0x10: {  	[smem:$0x3FB3] =	sst s8  }
0x11: {  	[smem:$0x3FB4] =	sst s9;
	s0 =	simm.s32 @!p0 $0x0  }
0x12: {  	s1 =	sld [smem:$0x3F9A];
	s0 =	simm.s32 @p0 $0x1  }
0x13: {  	[smem:$0x3FB5] =	sst s0;
	s0 =	simm.s32 @!p1 $0x0  }
0x14: {  	s2 =	sld [smem:$0x3F99];
	s0 =	simm.s32 @p1 $0x1  }
0x15: {  	[smem:$0x3FB6] =	sst s0;
	s0 =	simm.s32 @!p2 $0x0  }
0x16: {  	s3 =	sld [smem:$0x3FDB];
	s0 =	simm.s32 @p2 $0x1  }
0x17: {  	s4 =	simm.s32 $0x1BF5;
	[smem:$0x3FB8] =	sst s0  }
0x18: {  	s0 =	sld [smem:$0x3F9B];
	_ =	swait.ge [sflag:s4], $0x0  }
0x19: {  	s7 =	sld [smem:$0x3F9C]  }
0x1a: {  	s8 =	sadd.s32 $0xFFFFE003, lr  }
0x1b: {  	s9 =	sadd.s32 $0xFFFFFEF7, lr;
	s5 =	simm.s32 $0xFFFFFFFF;
	p2 =	slt.u32 s8, $0xFFFFF086  }
0x1c: {  	p1 =	slt.u32 s9, $0xF7A;
	s5 =	simm.s32 @!p2 $0x0  }
0x1d: {  	s5 =	simm.s32 @p1 $0x1;
	p0 =	seq.s32 s7, s2  }
0x1e: {  	s7 =	smul.u32 @!p0 $0xF7A, s2;
	p2 =	seq.s32 @!p0 s5, $0x0  }
0x1f: {  	s9 =	smul.u32 $0xF7A, s1;
	s8 =	simm.s32 @!p0 $0x1BF5;
	p2 =	por !p2, p0  }
0x20: {  	[sflag:s8] =	ssyncset.s32 @!p0 $0xFFFFF086;
	s6 =	sadd.s32 @!p0 s3, s7;
	s7 =	simm.s32 @!p0 $0x108  }
0x21: {  	s3 =	sadd.s32 s3, s9;
	s6 =	sadd.s32 @!p0 $0x88, s6;
	s7 =	simm.s32 @p2 $0x1082  }
0x22: {  	[simem:s7], [sflag:s8] =	dma.local @!p0 [hbm:s6], $0xF7A  }
0x23: {  	s9 =	sor.u32 $0xD0000000, s2;
	s6 =	simm.s32 $0x108;
	_ =	swait.ge @!p0 [sflag:s8], $0x0  }
0x24: {  	s3 =	sadd.s32 $0x88, s3;
	s6 =	simm.s32 @!p1 $0x1082;
	[sflag:s4] =	ssyncset.s32 $0xFFFFF086  }
0x25: {  	[simem:s6], [sflag:s4] =	dma.local [hbm:s3], $0xF7A  }
0x26: {  	[smem:$0x3F9C] =	sst s1;
	(tag) =	ssettag s2;
	_ =	strace s9  }
0x27: {  	s1 =	sld [smem:$0x3FAC]  }
0x28: {  	s2 =	sld [smem:$0x3FAD]  }
0x29: {  	s4 =	sld [smem:$0x3FAF]  }
0x2a: {  	p0 =	seq.s32 s5, $0x0;
	s5 =	sld [smem:$0x3FB0]  }
0x2b: {  	s6 =	sld [smem:$0x3FB1]  }
0x2c: {  	s7 =	sld [smem:$0x3FB2]  }
0x2d: {  	s3 =	simm.s32 $0x108;
	s8 =	sld [smem:$0x3FB3]  }
0x2e: {  	s3 =	simm.s32 @!p0 $0x1082;
	s9 =	sld [smem:$0x3FB4]  }
0x2f: {  	lr =	sadd.s32 s0, s3;
	s0 =	sld [smem:$0x3FAB]  }
0x30: {  	s3 =	sld [smem:$0x3FAE]  }
0x31: {  	[smem:$0x3FB7] =	sst s10  }
0x32: {  	s10 =	sld [smem:$0x3FB5];
	_ =	sdelay $0x3  }
0x33: {  	p0 =	seq.s32 s10, $0x1;
	s10 =	sld [smem:$0x3FB7];
	_ =	sdelay $0x3  }
0x34: {  	[smem:$0x3FB7] =	sst s10  }
0x35: {  	s10 =	sld [smem:$0x3FB6];
	_ =	sdelay $0x3  }
0x36: {  	p1 =	seq.s32 s10, $0x1;
	s10 =	sld [smem:$0x3FB7];
	_ =	sdelay $0x3  }
0x37: {  	[smem:$0x3FB7] =	sst s10  }
0x38: {  	s10 =	sld [smem:$0x3FB8]  }
0x39: {  	_ = 	snop;
	(pc) =	sbr.ind lr, $3  }
0x3a: {  	_ = 	snop  }
0x3b: {  	_ = 	snop  }
0x3c: {  	p2 =	seq.s32 s10, $0x1;
	s10 =	sld [smem:$0x3FB7]  }
0x3d: {  	_ =	shalt  }
0x3e: {  	_ =	shalt  }
0x3f: {  	_ =	shalt  }
0x40: {  	_ =	shalt  }
0x41: {  	_ =	shalt  }
0x42: {  	_ =	shalt  }
0x43: {  	_ =	shalt  }
0x44: {  	_ =	shalt  }
0x45: {  	_ =	shalt  }
0x46: {  	_ =	shalt  }
0x47: {  	_ =	shalt  }
0x48: {  	_ =	shalt  }
0x49: {  	_ =	shalt  }
0x4a: {  	_ =	shalt  }
0x4b: {  	_ =	shalt  }
0x4c: {  	_ =	shalt  }
0x4d: {  	_ =	shalt  }
0x4e: {  	_ =	shalt  }
0x4f: {  	_ =	shalt  }
0x50: {  	_ =	shalt  }
0x51: {  	_ =	shalt  }
0x52: {  	_ =	shalt  }
0x53: {  	_ =	shalt  }
0x54: {  	_ =	shalt  }
0x55: {  	_ =	shalt  }
0x56: {  	_ =	shalt  }
0x57: {  	_ =	shalt  }
0x58: {  	_ =	shalt  }
0x59: {  	_ =	shalt  }
0x5a: {  	_ =	shalt  }
0x5b: {  	_ =	shalt  }
0x5c: {  	_ =	shalt  }
0x5d: {  	_ =	shalt  }
0x5e: {  	_ =	shalt  }
0x5f: {  	_ =	shalt  }
0x60: {  	_ =	shalt  }
0x61: {  	_ =	shalt  }
0x62: {  	_ =	shalt  }
0x63: {  	_ =	shalt  }
0x64: {  	_ =	shalt  }
0x65: {  	_ =	shalt  }
0x66: {  	_ =	shalt  }
0x67: {  	_ =	shalt  }
0x68: {  	_ =	shalt  }
0x69: {  	_ =	shalt  }
0x6a: {  	_ =	shalt  }
0x6b: {  	_ =	shalt  }
0x6c: {  	_ =	shalt  }
0x6d: {  	_ =	shalt  }
0x6e: {  	_ =	shalt  }
0x6f: {  	_ =	shalt  }
0x70: {  	_ =	shalt  }
0x71: {  	_ =	shalt  }
0x72: {  	_ =	shalt  }
0x73: {  	_ =	shalt  }
0x74: {  	_ =	shalt  }
0x75: {  	_ =	shalt  }
0x76: {  	_ =	shalt  }
0x77: {  	_ =	shalt  }
0x78: {  	_ =	shalt  }
0x79: {  	_ =	shalt  }
0x7a: {  	_ =	shalt  }
0x7b: {  	_ =	shalt  }
0x7c: {  	_ =	shalt  }
0x7d: {  	_ =	shalt  }
0x7e: {  	_ =	shalt  }
0x7f: {  	_ =	shalt  }
0x80: {  	_ =	shalt  }
0x81: {  	_ =	shalt  }
0x82: {  	_ =	shalt  }
0x83: {  	_ =	shalt  }
0x84: {  	_ =	shalt  }
0x85: {  	_ =	shalt  }
0x86: {  	_ =	shalt  }
0x87: {  	_ =	shalt  }
.Lfunc_end0:
.L_simem_size_0:
called_computation_lowered:
.L_overlay_start_0:
0x88: {  	s2 =	sld [smem:$0x3FD9]  }
0x89: {  	s3 =	sld [smem:$0x3FFE];
	_ =	sdelay $0x1  }
0x8a: {  	s1 =	srdreg.scid  }
0x8b: {  	s0 =	sand.u32 $0x1, s1  }
0x8c: {  	s17 =	sshll.u32 s0, $0xA;
	s2 =	sadd.s32 s3, s2  }
0x8d: {  	s2 =	sadd.s32 s2, s17  }
0x8e: {  	[smem:$0x3FC3] =	sst s2  }
0x8f: {  	_ = 	snop  }
0x90: {  	s2 =	sld [smem:$0x3FD0];
	(tm) =	ssettm $0x1  }
0x91: {  	s18 =	sld [smem:$0x3FFB];
	_ =	sdelay $0x3  }
0x92: {  	_ =	strace s18  }
0x93: {  	s3 =	sld [smem:$0x3FFC];
	_ =	sdelay $0x3  }
0x94: {  	_ =	strace s3  }
0x95: {  	s3 =	sld [smem:$0x3FFD];
	_ =	sdelay $0x3  }
0x96: {  	_ =	strace s3  }
0x97: {  	_ =	strace $0x8FFFFFFF  }
0x98: {  	s19 =	sld [smem:$0x3FDB];
	_ =	sdelay $0x1  }
0x99: {  	s4 =	simm.s32 $_scs_section_size  }
0x9a: {  	s5 =	simm.s32 $_size__tile_overlayer_lowered;
	s6 =	simm.s32 $_tile_overlayer_lowered  }
0x9b: {  	s22 =	simm.s32 $0x1BFF;
	s21 =	sshll.u32 s6, $0x1;
	s3 =	sadd.s32 s4, s19  }
0x9c: {  	s7 =	simm.s32 $0x0;
	s20 =	sshll.u32 s5, $0x1;
	s5 =	sadd.s32 s21, s3  }
0x9d: {  	[timem:s7], [sflag:s22] =	dma.local [hbm:s5], s20  }
0x9e: {  	_ =	swait.ge [sflag:s22], s20  }
0x9f: {  	s4 =	ssub.s32 $0x0, s20;
	[sflag:s22] =	ssyncset.done $0x0  }
0xa0: {  	[sflag:s22] =	ssyncadd.s32 s4;
	_ =	sdelay $0x1  }
0xa1: {  	s23 =	simm.s32 $0x1B8B  }
0xa2: {  	_ =	swait.ge [sflag:s23], $0x1  }
0xa3: {  	[sflag:s23] =	ssyncset.done $0x0  }
0xa4: {  	s25 =	simm.s32 $0x1B8E;
	s24 =	sld [smem:$0x3FFE];
	[sflag:s23] =	ssyncadd.s32 $0xFFFFFFFF  }
0xa5: {  	s26 =	simm.s32 $execute0_lowered;
	[smem:$0x3FD2] =	sst s25  }
0xa6: {  	s5 =	sshll.u32 s26, $0x1;
	_ =	strace $0x80000046;
	[dreg:$0x1] =	wrdreg $0xFFFFFFFF  }
0xa7: {  	s28 =	simm.s32 $_size_execute0_lowered;
	s3 =	sadd.s32 s3, s5;
	[dreg:$0x0] =	wrdreg $0x0  }
0xa8: {  	s5 =	sshll.u32 s28, $0x1;
	[dreg:$0x2] =	wrdreg s3  }
0xa9: {  	[dreg:$0x3] =	wrdreg s5  }
0xaa: {  	[dreg:$0x4] =	wrdreg $0xC0  }
0xab: {  	_ =	task [dreg:s7], $0x5FFFF  }
0xac: {  	[dreg:$0x1] =	wrdreg $0xFFFFFFFF  }
0xad: {  	[dreg:$0x0] =	wrdreg $0x60  }
0xae: {  	[dreg:$0x2] =	wrdreg s2  }
0xaf: {  	[dreg:$0x3] =	wrdreg s24  }
0xb0: {  	[dreg:$0x4] =	wrdreg $0x0  }
0xb1: {  	[dreg:$0x5] =	wrdreg $0x9  }
0xb2: {  	_ =	task.clear_ibuf [dreg:s7], $0x6FFFF;
	_ =	strace $0x90000046  }
0xb3: {  	s29 =	simm.s32 $0x9;
	_ =	strace $0x80000048  }
0xb4: {  	_ =	swait.ge [sflag:s29], $0x1  }
0xb5: {  	[sflag:s29] =	ssyncadd.s32 $0xFFFFFFFF  }
0xb6: {  	_ =	strace $0x90000048  }
0xb7: {  	_ =	sfence  }
0xb8: {  	s30 =	sld [smem:$0x0];
	_ =	sdelay $0x2  }
0xb9: {  	s31 =	sshll.u32 s1, $0xD;
	s1 =	sshrl.u32 s1, $0x2  }
0xba: {  	s3 =	sand.u32 $0x4000, s31;
	s1 =	sadd.s32 s1, s30  }
0xbb: {  	s0 =	sor.u32 s3, s0;
	s1 =	sshll.u32 s1, $0x11  }
0xbc: {  	s0 =	sor.u32 s1, s0  }
0xbd: {  	s0 =	sadd.s32 $0x8F2B, s0  }
0xbe: {  	[sflag:s0] =	ssyncadd.remote.s32 $0x1  }
0xbf: {  	_ =	sfence.sel $0xFFFF  }
0xc0: {  	[dreg:$0x0] =	wrdreg $0xFFFFFFFF;
	(pc) =	sbr.abs _section_cstart, $3  }
0xc1: {  	[dreg:$0x1] =	wrdreg $0xFFFFFFFF  }
0xc2: {  	_ =	task.clear_ibuf [dreg:s7], $0x2FFFF;
	_ =	strace $0x9FFFFFFF  }
0xc3: {  	(tm) =	ssettm $0x7FFFFFFF  }
tec
execute0_lowered:
.L_overlay_start_1:
0x0: {  	(tag) =	ssettag $0x1  }
0x1: {  	s7 =	rddreg [dreg:$0x0]  }
0x2: {  	s6 =	rddreg [dreg:$0x1]  }
0x3: {  	s2 =	rddreg [dreg:$0x2]  }
0x4: {  	s0 =	rddreg [dreg:$0x3]  }
0x5: {  	s3 =	simm.s32 $0x0;
	s4 =	srdreg.scid;
	s1 =	stileid.u32  }
0x6: {  	s13 =	simm.s32 $0x280;
	s14 =	simm.s32 $0x50;
	s15 =	simm.s32 $0x1  }
0x7: {  	s16 =	simm.s32 $0x20;
	s17 =	simm.s32 $0x10;
	s18 =	simm.s32 $0x0  }
0x8: {  	[smem:$0x7FF] =	sst s3;
	s8 =	sand.u32 $0x1, s4;
	s5 =	smul.u32 $0x500, s1  }
0x9: {  	s4 =	sadd.s32 $0x1A00, s6;
	s11 =	smul.u32 $0xA00, s1;
	s30 =	sshll.u32 s1, $0x6  }
0xa: {  	s31 =	sshll.u32 s1, $0xB;
	_ =	strace $0x80000047;
	s9 =	sshll.u32 s8, $0x7  }
0xb: {  	s10 =	ssub.s32 $0x2, s8;
	s8 =	sshll.u32 s8, $0xF;
	s7 =	sadd.s32 s7, s31  }
0xc: {  	s9 =	sor.u32 s9, s5;
	s5 =	sadd.s32 $0x1800, s6;
	s12 =	sshrl.u32 s10, $0x1  }
0xd: {  	s29 =	sshrl.u32 s11, $0x2;
	s7 =	sadd.s32 s8, s7;
	s9 =	sshrl.u32 s9, $0x3  }
0xe: {  	s10 =	ssub.s32 s10, s12;
	s11 =	sadd.s32 s29, s2;
	s9 =	sadd.s32 s9, s6  }
0xf: {  	s12 =	simm.s32 $0x4280;
	s6 =	sor.u32 $0x1C02, s30;
	s8 =	sadd.s32 $0x1C00, s9  }
0x10: {  	s9 =	smax.u32 s10, $0x1;
	s10 =	sshrl.u32 s11, $0x3;
	s11 =	simm.s32 $0x2  }
.LBB2_1:
0x11: {  	[spmem:s10], [sflag:s6] =	dma.local [hbm:s5], $0x50  }
0x12: {  	_ =	swait.ge [sflag:s11], $0x50  }
0x13: {  	[sflag:s11] =	ssyncset.done $0x0  }
0x14: {  	[sflag:s11] =	ssyncadd.s32 $0xFFFFFFB0  }
0x15: {  	[tilespmem:s12], [sflag:$0x2] =	stream.linear.gather [hbm4b:s4+s3], $0x80, $0x38;
	[tilespmem:$0x4300] =	vst v63  }
0x16: {  	_ =	swait.ge [sflag:s11], $0x80  }
0x17: {  	[sflag:s11] =	ssyncset.done $0x0  }
0x18: {  	[sflag:s11] =	ssyncadd.s32 $0xFFFFFF80  }
0x19: {  	[tilespmem:s13], [sflag:$0x2] =	stream.linear.gather [hbm4b:s7+s3], $0x3E80, $0x38;
	[tilespmem:$0x4300] =	vst v63  }
0x1a: {  	_ =	swait.ge [sflag:s11], $0x3E80  }
0x1b: {  	[sflag:s11] =	ssyncset.done $0x0  }
0x1c: {  	[sflag:s11] =	ssyncadd.s32 $0xFFFFC180  }
0x1d: {  	s19 =	simm.s32 $0x0;
	[bflag:$0x0] =	sbarrier.arrive $0xFFFF  }
.LBB2_2:
0x1e: {  	p0 =	sne.s32 s19, $0xF800  }
.Ltmp0:
0x1f: {  	_ = 	snop;
	(pc) =	sbr.rel @p0 .LBB2_2-.Ltmp0, $4  }
0x20: {  	_ = 	snop  }
0x21: {  	s20 =	sshra.s32 s19, $0x2  }
0x22: {  	s19 =	sadd.s32 $0x200, s19;
	s20 =	sadd.s32 $0x280, s20  }
0x23: {  	[spmem:s2] =	stream.indirect.scatter.add.f32 [tilespmem:s12], [sflag:$0x1], $0x1, s20, s14, $0xb8;
	[tilespmem:$0x4300] =	vst v63  }
0x24: {  	_ =	swait.ge [sflag:s15], $0x50  }
0x25: {  	s19 =	simm.s32 $0x7C;
	[sflag:s15] =	ssyncset.done $0x0  }
.LBB2_4:
0x26: {  	p0 =	sne.s32 s19, $0x1;
	s19 =	sadd.s32 $0xFFFFFFFF, s19;
	[sflag:s15] =	ssyncadd.s32 $0xFFFFFFB0  }
.Ltmp1:
0x27: {  	(pc) =	sbr.rel @p0 .LBB2_4-.Ltmp1, $3  }
0x28: {  	_ =	sdelay $0x1  }
0x29: {  	_ =	swait.ge [sflag:s15], $0x50  }
0x2a: {  	[sflag:s15] =	ssyncset.done $0x0  }
0x2b: {  	s18 =	sadd.s32 $0x1, s18  }
0x2c: {  	[sflag:s15] =	ssyncadd.s32 $0xFFFFFFB0;
	p0 =	sne.s32 s18, s9  }
.Ltmp2:
0x2d: {  	[bflag:$0x0] =	sbarrier.arrive $0xFFFF;
	(pc) =	sbr.rel @p0 .LBB2_1-.Ltmp2, $4  }
0x2e: {  	[hbm:s8@s16], [sflag:s6] =	dma.strided [spmem:s10@s17], $0x50, s15, $0x10   }
0x2f: {  	_ =	swait.ge [sflag:s11], $0x50  }
0x30: {  	[sflag:s11] =	ssyncset.done $0x0  }
0x31: {  	[sflag:s11] =	ssyncadd.s32 $0xFFFFFFB0  }
0x32: {  	_ =	sfence.sel $0x180000  }
0x33: {  	[bflag:$0x0] =	sbarrier.arrive $0xFFFF  }
0x34: {  	p0 =	sne.s32 s1, $0x0;
	_ =	strace $0x90000047  }
0x35: {  	s0 =	sadd.s32 @!p0 $0x100000, s0;
	[bflag:$0x2] =	sbarrier.arrive $0xFFFF  }
0x36: {  	[sflag:s0] =	ssyncadd.tile.s32 @!p0 $0x1;
	_ =	shalt  }
.Lfunc_end2:
_tile_overlayer_lowered:
.L_overlay_start_2:
0x37: {  	(tag) =	ssettag $0x2  }
0x38: {  	s0 =	rddreg [dreg:$0x0];
	s2 =	stileid.u32  }
0x39: {  	s1 =	rddreg [dreg:$0x1];
	p0 =	sne.s32 s2, $0x0  }
0x3a: {  	s3 =	rddreg [dreg:$0x2];
	[bflag:$0x3] =	sbarrier.arrive $0xFFFF;
	s2 =	simm.s32 @!p0 $0x1C02  }
0x3b: {  	[timem:s3], [sflag:s2] =	dma.local @!p0 [hbm:s0], s1  }
0x3c: {  	s0 =	simm.s32 @!p0 $0x2  }
0x3d: {  	_ =	swait.ge @!p0 [sflag:s0], s1  }
0x3e: {  	s1 =	ssub.s32 @!p0 $0x0, s1;
	[sflag:s0] =	ssyncset.done @!p0 $0x0  }
0x3f: {  	[sflag:s0] =	ssyncadd.s32 @!p0 s1  }
0x40: {  	[bflag:$0x3] =	sbarrier.arrive $0xFFFF  }
0x41: {  	_ =	shalt  }

</sc_bundles>
